<compile_context>
chip_gen: v7x
topology: tpu7x:2x2x1
jax: 0.10.2.dev20260603
libtpu: 0.0.44.dev20260713+nightly
codegen_flags: <defaults>
</compile_context>

<pallas_src>
import functools

import jax
import jax.numpy as jnp
from jax import lax
from jax.experimental import pallas as pl
from jax.experimental.pallas import tpu as pltpu
from jax.experimental.pallas import tpu_sc as plsc

N_NODES = 10000
D = 128
N_REL = 8
E = 40000

W = 144
NC, NS = 1, 16
LANES = 16
CHUNK = 128
NCH = 20
EPT = CHUNK * NCH
EP = EPT * NS
REL_PER_CORE = N_REL // NC
ACC_ROWS = 10240
N_TRASH = ACC_ROWS - N_NODES
ZROWS = 128
ROWS_PER_TILE = ACC_ROWS // NS
WB = 624
WBC = 104
WB_TAIL = N_NODES - NS * WB


def _sc_body(x1_hbm, ep_hbm, zeros_hbm, out_hbm,
             idx_p, idx_s, idx_d, rows, acc):
    c = lax.axis_index("c")
    t = lax.axis_index("s")

    def rel_step(rl, carry):
        r = c * REL_PER_CORE + rl
        pltpu.sync_copy(zeros_hbm, rows)

        def zero_step(z, carry2):
            pltpu.sync_copy(
                rows, acc.at[pl.ds(t * ROWS_PER_TILE + z * ZROWS, ZROWS)])
            return carry2

        lax.fori_loop(0, ROWS_PER_TILE // ZROWS, zero_step, 0)
        pltpu.sync_copy(ep_hbm.at[r, t], idx_p)
        plsc.subcore_barrier()

        def chunk_step(j, carry2):
            def unpack_vec(k, carry3):
                v = idx_p[j, pl.ds(k * LANES, LANES)]
                idx_s[0, pl.ds(k * LANES, LANES)] = v & 0xFFFF
                idx_d[0, pl.ds(k * LANES, LANES)] = v >> 16
                return carry3

            lax.fori_loop(0, CHUNK // LANES, unpack_vec, 0)
            pltpu.sync_copy(x1_hbm.at[idx_s.at[0]], rows)
            pltpu.sync_copy(rows, acc.at[idx_d.at[0]], add=True)
            return carry2

        lax.fori_loop(0, NCH, chunk_step, 0)
        plsc.subcore_barrier()

        def wb_step(k, carry2):
            base = t * WB + k * WBC
            pltpu.sync_copy(acc.at[pl.ds(base, WBC)], rows.at[pl.ds(0, WBC)])
            pltpu.sync_copy(rows.at[pl.ds(0, WBC)],
                            out_hbm.at[pl.ds(r * N_NODES + base, WBC)])
            return carry2

        lax.fori_loop(0, WB // WBC, wb_step, 0)

        @pl.when(t == 0)
        def _():
            pltpu.sync_copy(acc.at[pl.ds(NS * WB, WB_TAIL)],
                            rows.at[pl.ds(0, WB_TAIL)])
            pltpu.sync_copy(
                rows.at[pl.ds(0, WB_TAIL)],
                out_hbm.at[pl.ds(r * N_NODES + NS * WB, WB_TAIL)])

        plsc.subcore_barrier()
        return carry

    lax.fori_loop(0, REL_PER_CORE, rel_step, 0)


def _sc_aggregate(x1, edges_packed, zeros):
    mesh = plsc.VectorSubcoreMesh(
        core_axis_name="c", subcore_axis_name="s", num_cores=NC)
    return pl.kernel(
        _sc_body,
        out_type=jax.ShapeDtypeStruct((N_REL * N_NODES, W), jnp.float32),
        mesh=mesh,
        scratch_types=[
            pltpu.VMEM((NCH, CHUNK), jnp.int32),
            pltpu.VMEM((1, CHUNK), jnp.int32),
            pltpu.VMEM((1, CHUNK), jnp.int32),
            pltpu.VMEM((CHUNK, W), jnp.float32),
            pltpu.VMEM_SHARED((ACC_ROWS, W), jnp.float32),
        ],
        compiler_params=pltpu.CompilerParams(use_tc_tiling_on_sc=False),
    )(x1, edges_packed, zeros)


def _tc_body(x_ref, acc_ref, w_ref, out_ref):
    xb = x_ref[...]
    out = jnp.dot(xb, w_ref[N_REL], preferred_element_type=jnp.float32)
    for r in range(N_REL):
        a = acc_ref[r]
        cnt = a[:, D:D + 1]
        agg = a[:, :D] / jnp.maximum(cnt, 1.0)
        out = out + jnp.dot(agg, w_ref[r], preferred_element_type=jnp.float32)
    out_ref[...] = out


def _tc_combine(x, acc3, w_all):
    blk = 400
    grid = (N_NODES // blk,)
    return pl.pallas_call(
        _tc_body,
        grid=grid,
        in_specs=[
            pl.BlockSpec((blk, D), lambda i: (i, 0)),
            pl.BlockSpec((N_REL, blk, W), lambda i: (0, i, 0)),
            pl.BlockSpec((N_REL + 1, D, D), lambda i: (0, 0, 0)),
        ],
        out_specs=pl.BlockSpec((blk, D), lambda i: (i, 0)),
        out_shape=jax.ShapeDtypeStruct((N_NODES, D), jnp.float32),
    )(x, acc3, w_all)


def kernel(x, edge_type_idcs, edge_masks, self_weight, relation_weights):
    x1 = jnp.concatenate(
        [x, jnp.ones((N_NODES, 1), jnp.float32),
         jnp.zeros((N_NODES, W - D - 1), jnp.float32)], axis=1)

    src = edge_type_idcs[:, 0, :].astype(jnp.int32)
    dst = edge_type_idcs[:, 1, :].astype(jnp.int32)
    trash = N_NODES + (jnp.arange(E, dtype=jnp.int32) % N_TRASH)
    dst = jnp.where(edge_masks, dst, trash[None, :])

    pad = EP - E
    pad_src = (jnp.arange(pad, dtype=jnp.int32) * 37) % N_NODES
    pad_dst = N_NODES + jnp.arange(pad, dtype=jnp.int32) % N_TRASH
    src_p = jnp.concatenate(
        [src, jnp.broadcast_to(pad_src, (N_REL, pad))], axis=1)
    dst_p = jnp.concatenate(
        [dst, jnp.broadcast_to(pad_dst, (N_REL, pad))], axis=1)
    packed = (src_p | (dst_p << 16)).reshape(N_REL, NS, NCH, CHUNK)

    zeros = jnp.zeros((ZROWS, W), jnp.float32)
    acc = _sc_aggregate(x1, packed, zeros)
    acc3 = acc.reshape(N_REL, N_NODES, W)

    w_all = jnp.concatenate([relation_weights, self_weight[None]], axis=0)
    return _tc_combine(x, acc3, w_all)

# --- scband reference (transcript-rebuilt; emitter-appended) ---
"""Pipeline reference for scband-rgcnconv-35338990912106 (READ-ONLY COPY).

The authoritative reference and input builder live on the scoring server;
editing this copy changes nothing except your own understanding.
"""

import jax, jax.numpy as jnp
import numpy as np

N_NODES = 10000
D = 128
N_REL = 8
E_PER_REL = 40000


def setup_inputs(seed: int = 0) -> dict:
    key = jax.random.key(seed)
    k1, k2, k3, k4 = jax.random.split(key, 4)
    x = jax.random.normal(k1, (N_NODES, D), dtype=jnp.float32)
    edge_type_idcs = jax.random.randint(k2, (N_REL, 2, E_PER_REL), 0, N_NODES)
    edge_masks = jnp.ones((N_REL, E_PER_REL), dtype=bool)
    glorot = jax.nn.initializers.glorot_uniform()
    self_weight = glorot(k3, (D, D), jnp.float32)
    relation_weights = glorot(k4, (N_REL, D, D), jnp.float32)
    return {
        "x": x,
        "edge_type_idcs": edge_type_idcs,
        "edge_masks": edge_masks,
        "self_weight": self_weight,
        "relation_weights": relation_weights,
    }


def reference(x, edge_type_idcs, edge_masks, self_weight, relation_weights):
    # self transform
    out = jnp.matmul(x, self_weight)
    # per-relation message passing with mean aggregation over incoming edges
    for rel in range(N_REL):
        edge_mask = edge_masks[rel].reshape((-1, 1))
        rel_edge_index = edge_type_idcs[rel]
        out_rel = jnp.matmul(x, relation_weights[rel])
        out_term = jnp.zeros(out.shape, dtype=out.dtype).at[rel_edge_index[1], :].add(
            jnp.where(edge_mask, out_rel[rel_edge_index[0], :], 0.0)
        )
        n_input_edges = jnp.zeros((out.shape[0], 1), dtype=out.dtype).at[rel_edge_index[1]].add(
            jnp.where(edge_mask, 1.0, 0.0)
        )
        out_term = jnp.where(n_input_edges == 0, out_term, out_term / n_input_edges)
        out = out + out_term
    return out

if __name__ == "__main__":
    import jax
    _d = setup_inputs()
    print(jax.jit(kernel)(*tuple(_d.values())))

</pallas_src>

<mosaic_0001>
#map = affine_map<(d0, d1) -> (0, 0)>
#map1 = affine_map<(d0, d1) -> (0, 0, 0, 0)>
module attributes {stable_mosaic.version = 14 : i64} {
  func.func @_sc_body(%arg0: i32, %arg1: i32, %arg2: memref<10000x144xf32, #tpu.memory_space<hbm>>, %arg3: memref<8x16x20x128xi32, #tpu.memory_space<hbm>>, %arg4: memref<128x144xf32, #tpu.memory_space<hbm>>, %arg5: memref<80000x144xf32, #tpu.memory_space<hbm>>, %arg6: memref<20x128xi32, #tpu.memory_space<vmem>>, %arg7: memref<1x128xi32, #tpu.memory_space<vmem>>, %arg8: memref<1x128xi32, #tpu.memory_space<vmem>>, %arg9: memref<128x144xf32, #tpu.memory_space<vmem>>, %arg10: memref<10240x144xf32, #tpu.memory_space<vmem_shared>>) attributes {dimension_semantics = [#tpu.dimension_semantics<core_parallel>, #tpu.dimension_semantics<subcore_parallel>], iteration_bounds = array<i64: 1, 16>, scalar_prefetch = 0 : i64, scratch_operands = 5 : i64, tpu.core_type = #tpu.core_type<sc_vector_subcore>, window_params = [{transform_indices = #map}, {transform_indices = #map1}, {transform_indices = #map}, {transform_indices = #map}]} {
    %scan3A = arith.constant 0 : i32
    %scan3A_0 = arith.constant 0 : i32
    %scan3A_1 = arith.constant 8 : i32
    %scan3A_2 = arith.addi %scan3A_0, %scan3A_1 : i32
    %scan3A_3 = arith.constant 1 : i32
    scf.for %scan3A_5 = %scan3A_0 to %scan3A_2 step %scan3A_3  : i32 {
      %mul3A = arith.constant 8 : i32
      %mul3A_6 = arith.muli %arg0, %mul3A : i32
      %add3A = arith.addi %mul3A_6, %scan3A_5 : i32
      "tpu.region"() ({
        %run_scoped3A = tpu.sem_alloc : memref<!tpu.dma_semaphore, #tpu.memory_space<semaphore_mem>>
        tpu.enqueue_dma source(%arg4 : memref<128x144xf32, #tpu.memory_space<hbm>>) target(%arg9 : memref<128x144xf32, #tpu.memory_space<vmem>>) target_semaphore(%run_scoped3A : memref<!tpu.dma_semaphore, #tpu.memory_space<semaphore_mem>>)
        tpu.wait_dma2 semaphore(%run_scoped3A : memref<!tpu.dma_semaphore, #tpu.memory_space<semaphore_mem>>) src(%arg4 : memref<128x144xf32, #tpu.memory_space<hbm>>) dst(%arg9 : memref<128x144xf32, #tpu.memory_space<vmem>>)
        tpu.yield
      }) : () -> ()
      %scan3A_7 = arith.constant 0 : i32
      %scan3A_8 = arith.constant 0 : i32
      %scan3A_9 = arith.constant 5 : i32
      %scan3A_10 = arith.addi %scan3A_8, %scan3A_9 : i32
      %scan3A_11 = arith.constant 1 : i32
      scf.for %scan3A_29 = %scan3A_8 to %scan3A_10 step %scan3A_11  : i32 {
        %mul3A_30 = arith.constant 640 : i32
        %mul3A_31 = arith.muli %arg1, %mul3A_30 : i32
        %mul3A_32 = arith.constant 128 : i32
        %mul3A_33 = arith.muli %scan3A_29, %mul3A_32 : i32
        %add3A_34 = arith.addi %mul3A_31, %mul3A_33 : i32
        "tpu.region"() ({
          %run_scoped3A = tpu.sem_alloc : memref<!tpu.dma_semaphore, #tpu.memory_space<semaphore_mem>>
          %dma_start3A = arith.constant 0 : i32
          %dma_start3A_35 = tpu.memref_slice %arg10[%add3A_34, %dma_start3A] : memref<10240x144xf32, #tpu.memory_space<vmem_shared>> -> memref<128x144xf32, #tpu.memory_space<vmem_shared>>
          %dma_start3A_36 = arith.constant 0 : i32
          %dma_start3A_37 = tpu.memref_slice %arg10[%add3A_34, %dma_start3A_36] : memref<10240x144xf32, #tpu.memory_space<vmem_shared>> -> memref<128x144xf32, #tpu.memory_space<vmem_shared>>
          tpu.enqueue_dma source(%arg9 : memref<128x144xf32, #tpu.memory_space<vmem>>) target(%dma_start3A_37 : memref<128x144xf32, #tpu.memory_space<vmem_shared>>) target_semaphore(%run_scoped3A : memref<!tpu.dma_semaphore, #tpu.memory_space<semaphore_mem>>)
          %dma_wait3A = arith.constant 0 : i32
          %dma_wait3A_38 = tpu.memref_slice %arg10[%add3A_34, %dma_wait3A] : memref<10240x144xf32, #tpu.memory_space<vmem_shared>> -> memref<128x144xf32, #tpu.memory_space<vmem_shared>>
          %dma_wait3A_39 = arith.constant 0 : i32
          %dma_wait3A_40 = tpu.memref_slice %arg10[%add3A_34, %dma_wait3A_39] : memref<10240x144xf32, #tpu.memory_space<vmem_shared>> -> memref<128x144xf32, #tpu.memory_space<vmem_shared>>
          tpu.wait_dma2 semaphore(%run_scoped3A : memref<!tpu.dma_semaphore, #tpu.memory_space<semaphore_mem>>) src(%arg9 : memref<128x144xf32, #tpu.memory_space<vmem>>) dst(%dma_wait3A_40 : memref<128x144xf32, #tpu.memory_space<vmem_shared>>)
          tpu.yield
        }) : () -> ()
      }
      %scan3A_12 = arith.constant 5 : i32
      "tpu.region"() ({
        %run_scoped3A = tpu.sem_alloc : memref<!tpu.dma_semaphore, #tpu.memory_space<semaphore_mem>>
        %dma_start3A = arith.constant 0 : i32
        %dma_start3A_29 = arith.constant 0 : i32
        %dma_start3A_30 = tpu.memref_slice %arg3[%add3A, %arg1, %dma_start3A, %dma_start3A_29] : memref<8x16x20x128xi32, #tpu.memory_space<hbm>> -> memref<1x1x20x128xi32, #tpu.memory_space<hbm>>
        %dma_start3A_31 = tpu.memref_squeeze %dma_start3A_30 : memref<1x1x20x128xi32, #tpu.memory_space<hbm>> -> memref<20x128xi32, #tpu.memory_space<hbm>>
        %dma_start3A_32 = arith.constant 0 : i32
        %dma_start3A_33 = arith.constant 0 : i32
        %dma_start3A_34 = tpu.memref_slice %arg3[%add3A, %arg1, %dma_start3A_32, %dma_start3A_33] : memref<8x16x20x128xi32, #tpu.memory_space<hbm>> -> memref<1x1x20x128xi32, #tpu.memory_space<hbm>>
        %dma_start3A_35 = tpu.memref_squeeze %dma_start3A_34 : memref<1x1x20x128xi32, #tpu.memory_space<hbm>> -> memref<20x128xi32, #tpu.memory_space<hbm>>
        tpu.enqueue_dma source(%dma_start3A_35 : memref<20x128xi32, #tpu.memory_space<hbm>>) target(%arg6 : memref<20x128xi32, #tpu.memory_space<vmem>>) target_semaphore(%run_scoped3A : memref<!tpu.dma_semaphore, #tpu.memory_space<semaphore_mem>>)
        %dma_wait3A = arith.constant 0 : i32
        %dma_wait3A_36 = arith.constant 0 : i32
        %dma_wait3A_37 = tpu.memref_slice %arg3[%add3A, %arg1, %dma_wait3A, %dma_wait3A_36] : memref<8x16x20x128xi32, #tpu.memory_space<hbm>> -> memref<1x1x20x128xi32, #tpu.memory_space<hbm>>
        %dma_wait3A_38 = tpu.memref_squeeze %dma_wait3A_37 : memref<1x1x20x128xi32, #tpu.memory_space<hbm>> -> memref<20x128xi32, #tpu.memory_space<hbm>>
        %dma_wait3A_39 = arith.constant 0 : i32
        %dma_wait3A_40 = arith.constant 0 : i32
        %dma_wait3A_41 = tpu.memref_slice %arg3[%add3A, %arg1, %dma_wait3A_39, %dma_wait3A_40] : memref<8x16x20x128xi32, #tpu.memory_space<hbm>> -> memref<1x1x20x128xi32, #tpu.memory_space<hbm>>
        %dma_wait3A_42 = tpu.memref_squeeze %dma_wait3A_41 : memref<1x1x20x128xi32, #tpu.memory_space<hbm>> -> memref<20x128xi32, #tpu.memory_space<hbm>>
        tpu.wait_dma2 semaphore(%run_scoped3A : memref<!tpu.dma_semaphore, #tpu.memory_space<semaphore_mem>>) src(%dma_wait3A_42 : memref<20x128xi32, #tpu.memory_space<hbm>>) dst(%arg6 : memref<20x128xi32, #tpu.memory_space<vmem>>)
        tpu.yield
      }) : () -> ()
      %barrier3A = arith.constant 0 : index
      tpu.barrier barrier_id(%barrier3A)
      %scan3A_13 = arith.constant 0 : i32
      %scan3A_14 = arith.constant 0 : i32
      %scan3A_15 = arith.constant 20 : i32
      %scan3A_16 = arith.addi %scan3A_14, %scan3A_15 : i32
      %scan3A_17 = arith.constant 1 : i32
      scf.for %scan3A_29 = %scan3A_14 to %scan3A_16 step %scan3A_17  : i32 {
        %scan3A_30 = arith.constant 0 : i32
        %scan3A_31 = arith.constant 0 : i32
        %scan3A_32 = arith.constant 8 : i32
        %scan3A_33 = arith.addi %scan3A_31, %scan3A_32 : i32
        %scan3A_34 = arith.constant 1 : i32
        scf.for %scan3A_37 = %scan3A_31 to %scan3A_33 step %scan3A_34  : i32 {
          %mul3A_38 = arith.constant 16 : i32
          %mul3A_39 = arith.muli %scan3A_37, %mul3A_38 : i32
          %get3A = arith.index_cast %scan3A_29 : i32 to index
          %get3A_40 = arith.index_cast %mul3A_39 : i32 to index
          %get3A_41 = tpu.vector_load %arg6[%get3A, %get3A_40] {strides = array<i32>} : memref<20x128xi32, #tpu.memory_space<vmem>>, vector<1x16xi32>,
          %get3A_42 = vector.shape_cast %get3A_41 : vector<1x16xi32> to vector<16xi32>
          %and3A = arith.constant 65535 : i32
          %and3A_43 = vector.broadcast %and3A : i32 to vector<16xi32>
          %and3A_44 = arith.andi %get3A_42, %and3A_43 : vector<16xi32>
          %mul3A_45 = arith.constant 16 : i32
          %mul3A_46 = arith.muli %scan3A_37, %mul3A_45 : i32
          %swap3A = arith.constant 0 : i32
          %swap3A_47 = arith.index_cast %swap3A : i32 to index
          %swap3A_48 = arith.index_cast %mul3A_46 : i32 to index
          %swap3A_49 = tpu.vector_load %arg7[%swap3A_47, %swap3A_48] {strides = array<i32>} : memref<1x128xi32, #tpu.memory_space<vmem>>, vector<1x16xi32>,
          %swap3A_50 = vector.shape_cast %swap3A_49 : vector<1x16xi32> to vector<16xi32>
          %swap3A_51 = vector.shape_cast %and3A_44 : vector<16xi32> to vector<1x16xi32>
          tpu.vector_store %arg7[%swap3A_47, %swap3A_48], %swap3A_51 {strides = array<i32>} : memref<1x128xi32, #tpu.memory_space<vmem>>, vector<1x16xi32>,
          %shift_right_arithmetic3A = arith.constant 16 : i32
          %shift_right_arithmetic3A_52 = vector.broadcast %shift_right_arithmetic3A : i32 to vector<16xi32>
          %shift_right_arithmetic3A_53 = arith.shrsi %get3A_42, %shift_right_arithmetic3A_52 : vector<16xi32>
          %mul3A_54 = arith.constant 16 : i32
          %mul3A_55 = arith.muli %scan3A_37, %mul3A_54 : i32
          %swap3A_56 = arith.constant 0 : i32
          %swap3A_57 = arith.index_cast %swap3A_56 : i32 to index
          %swap3A_58 = arith.index_cast %mul3A_55 : i32 to index
          %swap3A_59 = tpu.vector_load %arg8[%swap3A_57, %swap3A_58] {strides = array<i32>} : memref<1x128xi32, #tpu.memory_space<vmem>>, vector<1x16xi32>,
          %swap3A_60 = vector.shape_cast %swap3A_59 : vector<1x16xi32> to vector<16xi32>
          %swap3A_61 = vector.shape_cast %shift_right_arithmetic3A_53 : vector<16xi32> to vector<1x16xi32>
          tpu.vector_store %arg8[%swap3A_57, %swap3A_58], %swap3A_61 {strides = array<i32>} : memref<1x128xi32, #tpu.memory_space<vmem>>, vector<1x16xi32>,
        }
        %scan3A_35 = arith.constant 8 : i32
        %run_scoped3A = arith.constant 0 : i32
        "tpu.region"() ({
          %run_scoped3A_37 = tpu.sem_alloc : memref<!tpu.dma_semaphore, #tpu.memory_space<semaphore_mem>>
          %dma_start3A = arith.constant 0 : i32
          %dma_start3A_38 = tpu.memref_slice %arg7[%run_scoped3A, %dma_start3A] : memref<1x128xi32, #tpu.memory_space<vmem>> -> memref<1x128xi32, #tpu.memory_space<vmem>>
          %dma_start3A_39 = tpu.memref_squeeze %dma_start3A_38 : memref<1x128xi32, #tpu.memory_space<vmem>> -> memref<128xi32, #tpu.memory_space<vmem>>
          %dma_start3A_40 = arith.constant 0 : i32
          %dma_start3A_41 = arith.constant 0 : i32
          %dma_start3A_42 = tpu.memref_slice %arg2[%dma_start3A_40, %dma_start3A_41] : memref<10000x144xf32, #tpu.memory_space<hbm>> -> memref<10000x144xf32, #tpu.memory_space<hbm>>
          tpu.enqueue_indirect_dma source(%dma_start3A_42 : memref<10000x144xf32, #tpu.memory_space<hbm>>) target(%arg9 : memref<128x144xf32, #tpu.memory_space<vmem>>) offsets(%dma_start3A_39 : memref<128xi32, #tpu.memory_space<vmem>>) semaphore(%run_scoped3A_37 : memref<!tpu.dma_semaphore, #tpu.memory_space<semaphore_mem>>)
          %dma_wait3A = arith.constant 0 : i32
          %dma_wait3A_43 = tpu.memref_slice %arg7[%run_scoped3A, %dma_wait3A] : memref<1x128xi32, #tpu.memory_space<vmem>> -> memref<1x128xi32, #tpu.memory_space<vmem>>
          %dma_wait3A_44 = tpu.memref_squeeze %dma_wait3A_43 : memref<1x128xi32, #tpu.memory_space<vmem>> -> memref<128xi32, #tpu.memory_space<vmem>>
          %dma_wait3A_45 = arith.constant 0 : i32
          %dma_wait3A_46 = arith.constant 0 : i32
          %dma_wait3A_47 = tpu.memref_slice %arg2[%dma_wait3A_45, %dma_wait3A_46] : memref<10000x144xf32, #tpu.memory_space<hbm>> -> memref<10000x144xf32, #tpu.memory_space<hbm>>
          tpu.wait_indirect_dma semaphore(%run_scoped3A_37 : memref<!tpu.dma_semaphore, #tpu.memory_space<semaphore_mem>>) src(%dma_wait3A_47 : memref<10000x144xf32, #tpu.memory_space<hbm>>) dst(%arg9 : memref<128x144xf32, #tpu.memory_space<vmem>>)
          tpu.yield
        }) : () -> ()
        %run_scoped3A_36 = arith.constant 0 : i32
        "tpu.region"() ({
          %run_scoped3A_37 = tpu.sem_alloc : memref<!tpu.dma_semaphore, #tpu.memory_space<semaphore_mem>>
          %dma_start3A = arith.constant 0 : i32
          %dma_start3A_38 = tpu.memref_slice %arg8[%run_scoped3A_36, %dma_start3A] : memref<1x128xi32, #tpu.memory_space<vmem>> -> memref<1x128xi32, #tpu.memory_space<vmem>>
          %dma_start3A_39 = tpu.memref_squeeze %dma_start3A_38 : memref<1x128xi32, #tpu.memory_space<vmem>> -> memref<128xi32, #tpu.memory_space<vmem>>
          %dma_start3A_40 = arith.constant 0 : i32
          %dma_start3A_41 = arith.constant 0 : i32
          %dma_start3A_42 = tpu.memref_slice %arg10[%dma_start3A_40, %dma_start3A_41] : memref<10240x144xf32, #tpu.memory_space<vmem_shared>> -> memref<10240x144xf32, #tpu.memory_space<vmem_shared>>
          tpu.enqueue_indirect_dma source(%arg9 : memref<128x144xf32, #tpu.memory_space<vmem>>) target(%dma_start3A_42 : memref<10240x144xf32, #tpu.memory_space<vmem_shared>>) offsets(%dma_start3A_39 : memref<128xi32, #tpu.memory_space<vmem>>) semaphore(%run_scoped3A_37 : memref<!tpu.dma_semaphore, #tpu.memory_space<semaphore_mem>>) {add = true}
          %dma_wait3A = arith.constant 0 : i32
          %dma_wait3A_43 = tpu.memref_slice %arg8[%run_scoped3A_36, %dma_wait3A] : memref<1x128xi32, #tpu.memory_space<vmem>> -> memref<1x128xi32, #tpu.memory_space<vmem>>
          %dma_wait3A_44 = tpu.memref_squeeze %dma_wait3A_43 : memref<1x128xi32, #tpu.memory_space<vmem>> -> memref<128xi32, #tpu.memory_space<vmem>>
          %dma_wait3A_45 = arith.constant 0 : i32
          %dma_wait3A_46 = arith.constant 0 : i32
          %dma_wait3A_47 = tpu.memref_slice %arg10[%dma_wait3A_45, %dma_wait3A_46] : memref<10240x144xf32, #tpu.memory_space<vmem_shared>> -> memref<10240x144xf32, #tpu.memory_space<vmem_shared>>
          tpu.wait_indirect_dma semaphore(%run_scoped3A_37 : memref<!tpu.dma_semaphore, #tpu.memory_space<semaphore_mem>>) src(%arg9 : memref<128x144xf32, #tpu.memory_space<vmem>>) dst(%dma_wait3A_47 : memref<10240x144xf32, #tpu.memory_space<vmem_shared>>)
          tpu.yield
        }) : () -> ()
      }
      %scan3A_18 = arith.constant 20 : i32
      %barrier3A_19 = arith.constant 0 : index
      tpu.barrier barrier_id(%barrier3A_19)
      %scan3A_20 = arith.constant 0 : i32
      %scan3A_21 = arith.constant 0 : i32
      %scan3A_22 = arith.constant 6 : i32
      %scan3A_23 = arith.addi %scan3A_21, %scan3A_22 : i32
      %scan3A_24 = arith.constant 1 : i32
      scf.for %scan3A_29 = %scan3A_21 to %scan3A_23 step %scan3A_24  : i32 {
        %mul3A_30 = arith.constant 624 : i32
        %mul3A_31 = arith.muli %arg1, %mul3A_30 : i32
        %mul3A_32 = arith.constant 104 : i32
        %mul3A_33 = arith.muli %scan3A_29, %mul3A_32 : i32
        %add3A_34 = arith.addi %mul3A_31, %mul3A_33 : i32
        "tpu.region"() ({
          %run_scoped3A = tpu.sem_alloc : memref<!tpu.dma_semaphore, #tpu.memory_space<semaphore_mem>>
          %dma_start3A = arith.constant 0 : i32
          %dma_start3A_38 = arith.constant 0 : i32
          %dma_start3A_39 = tpu.memref_slice %arg9[%dma_start3A, %dma_start3A_38] : memref<128x144xf32, #tpu.memory_space<vmem>> -> memref<104x144xf32, #tpu.memory_space<vmem>>
          %dma_start3A_40 = arith.constant 0 : i32
          %dma_start3A_41 = tpu.memref_slice %arg10[%add3A_34, %dma_start3A_40] : memref<10240x144xf32, #tpu.memory_space<vmem_shared>> -> memref<104x144xf32, #tpu.memory_space<vmem_shared>>
          %dma_start3A_42 = arith.constant 0 : i32
          %dma_start3A_43 = arith.constant 0 : i32
          %dma_start3A_44 = tpu.memref_slice %arg9[%dma_start3A_42, %dma_start3A_43] : memref<128x144xf32, #tpu.memory_space<vmem>> -> memref<104x144xf32, #tpu.memory_space<vmem>>
          %dma_start3A_45 = arith.constant 0 : i32
          %dma_start3A_46 = tpu.memref_slice %arg10[%add3A_34, %dma_start3A_45] : memref<10240x144xf32, #tpu.memory_space<vmem_shared>> -> memref<104x144xf32, #tpu.memory_space<vmem_shared>>
          tpu.enqueue_dma source(%dma_start3A_46 : memref<104x144xf32, #tpu.memory_space<vmem_shared>>) target(%dma_start3A_44 : memref<104x144xf32, #tpu.memory_space<vmem>>) target_semaphore(%run_scoped3A : memref<!tpu.dma_semaphore, #tpu.memory_space<semaphore_mem>>)
          %dma_wait3A = arith.constant 0 : i32
          %dma_wait3A_47 = arith.constant 0 : i32
          %dma_wait3A_48 = tpu.memref_slice %arg9[%dma_wait3A, %dma_wait3A_47] : memref<128x144xf32, #tpu.memory_space<vmem>> -> memref<104x144xf32, #tpu.memory_space<vmem>>
          %dma_wait3A_49 = arith.constant 0 : i32
          %dma_wait3A_50 = tpu.memref_slice %arg10[%add3A_34, %dma_wait3A_49] : memref<10240x144xf32, #tpu.memory_space<vmem_shared>> -> memref<104x144xf32, #tpu.memory_space<vmem_shared>>
          %dma_wait3A_51 = arith.constant 0 : i32
          %dma_wait3A_52 = arith.constant 0 : i32
          %dma_wait3A_53 = tpu.memref_slice %arg9[%dma_wait3A_51, %dma_wait3A_52] : memref<128x144xf32, #tpu.memory_space<vmem>> -> memref<104x144xf32, #tpu.memory_space<vmem>>
          %dma_wait3A_54 = arith.constant 0 : i32
          %dma_wait3A_55 = tpu.memref_slice %arg10[%add3A_34, %dma_wait3A_54] : memref<10240x144xf32, #tpu.memory_space<vmem_shared>> -> memref<104x144xf32, #tpu.memory_space<vmem_shared>>
          tpu.wait_dma2 semaphore(%run_scoped3A : memref<!tpu.dma_semaphore, #tpu.memory_space<semaphore_mem>>) src(%dma_wait3A_55 : memref<104x144xf32, #tpu.memory_space<vmem_shared>>) dst(%dma_wait3A_53 : memref<104x144xf32, #tpu.memory_space<vmem>>)
          tpu.yield
        }) : () -> ()
        %mul3A_35 = arith.constant 10000 : i32
        %mul3A_36 = arith.muli %add3A, %mul3A_35 : i32
        %add3A_37 = arith.addi %mul3A_36, %add3A_34 : i32
        "tpu.region"() ({
          %run_scoped3A = tpu.sem_alloc : memref<!tpu.dma_semaphore, #tpu.memory_space<semaphore_mem>>
          %dma_start3A = arith.constant 0 : i32
          %dma_start3A_38 = arith.constant 0 : i32
          %dma_start3A_39 = tpu.memref_slice %arg9[%dma_start3A, %dma_start3A_38] : memref<128x144xf32, #tpu.memory_space<vmem>> -> memref<104x144xf32, #tpu.memory_space<vmem>>
          %dma_start3A_40 = arith.constant 0 : i32
          %dma_start3A_41 = tpu.memref_slice %arg5[%add3A_37, %dma_start3A_40] : memref<80000x144xf32, #tpu.memory_space<hbm>> -> memref<104x144xf32, #tpu.memory_space<hbm>>
          %dma_start3A_42 = arith.constant 0 : i32
          %dma_start3A_43 = tpu.memref_slice %arg5[%add3A_37, %dma_start3A_42] : memref<80000x144xf32, #tpu.memory_space<hbm>> -> memref<104x144xf32, #tpu.memory_space<hbm>>
          %dma_start3A_44 = arith.constant 0 : i32
          %dma_start3A_45 = arith.constant 0 : i32
          %dma_start3A_46 = tpu.memref_slice %arg9[%dma_start3A_44, %dma_start3A_45] : memref<128x144xf32, #tpu.memory_space<vmem>> -> memref<104x144xf32, #tpu.memory_space<vmem>>
          tpu.enqueue_dma source(%dma_start3A_46 : memref<104x144xf32, #tpu.memory_space<vmem>>) target(%dma_start3A_43 : memref<104x144xf32, #tpu.memory_space<hbm>>) target_semaphore(%run_scoped3A : memref<!tpu.dma_semaphore, #tpu.memory_space<semaphore_mem>>)
          %dma_wait3A = arith.constant 0 : i32
          %dma_wait3A_47 = arith.constant 0 : i32
          %dma_wait3A_48 = tpu.memref_slice %arg9[%dma_wait3A, %dma_wait3A_47] : memref<128x144xf32, #tpu.memory_space<vmem>> -> memref<104x144xf32, #tpu.memory_space<vmem>>
          %dma_wait3A_49 = arith.constant 0 : i32
          %dma_wait3A_50 = tpu.memref_slice %arg5[%add3A_37, %dma_wait3A_49] : memref<80000x144xf32, #tpu.memory_space<hbm>> -> memref<104x144xf32, #tpu.memory_space<hbm>>
          %dma_wait3A_51 = arith.constant 0 : i32
          %dma_wait3A_52 = tpu.memref_slice %arg5[%add3A_37, %dma_wait3A_51] : memref<80000x144xf32, #tpu.memory_space<hbm>> -> memref<104x144xf32, #tpu.memory_space<hbm>>
          %dma_wait3A_53 = arith.constant 0 : i32
          %dma_wait3A_54 = arith.constant 0 : i32
          %dma_wait3A_55 = tpu.memref_slice %arg9[%dma_wait3A_53, %dma_wait3A_54] : memref<128x144xf32, #tpu.memory_space<vmem>> -> memref<104x144xf32, #tpu.memory_space<vmem>>
          tpu.wait_dma2 semaphore(%run_scoped3A : memref<!tpu.dma_semaphore, #tpu.memory_space<semaphore_mem>>) src(%dma_wait3A_55 : memref<104x144xf32, #tpu.memory_space<vmem>>) dst(%dma_wait3A_52 : memref<104x144xf32, #tpu.memory_space<hbm>>)
          tpu.yield
        }) : () -> ()
      }
      %scan3A_25 = arith.constant 6 : i32
      %eq3A = arith.constant 0 : i32
      %eq3A_26 = arith.cmpi eq, %arg1, %eq3A : i32
      %convert_element_type3A = arith.extui %eq3A_26 : i1 to i32
      %cond3A = arith.constant 0 : i32
      %cond3A_27 = arith.cmpi ne, %convert_element_type3A, %cond3A : i32
      scf.if %cond3A_27 {
        "tpu.region"() ({
          %run_scoped3A = tpu.sem_alloc : memref<!tpu.dma_semaphore, #tpu.memory_space<semaphore_mem>>
          %dma_start3A = arith.constant 0 : i32
          %dma_start3A_33 = arith.constant 0 : i32
          %dma_start3A_34 = tpu.memref_slice %arg9[%dma_start3A, %dma_start3A_33] : memref<128x144xf32, #tpu.memory_space<vmem>> -> memref<16x144xf32, #tpu.memory_space<vmem>>
          %dma_start3A_35 = arith.constant 9984 : i32
          %dma_start3A_36 = arith.constant 0 : i32
          %dma_start3A_37 = tpu.memref_slice %arg10[%dma_start3A_35, %dma_start3A_36] : memref<10240x144xf32, #tpu.memory_space<vmem_shared>> -> memref<16x144xf32, #tpu.memory_space<vmem_shared>>
          %dma_start3A_38 = arith.constant 0 : i32
          %dma_start3A_39 = arith.constant 0 : i32
          %dma_start3A_40 = tpu.memref_slice %arg9[%dma_start3A_38, %dma_start3A_39] : memref<128x144xf32, #tpu.memory_space<vmem>> -> memref<16x144xf32, #tpu.memory_space<vmem>>
          %dma_start3A_41 = arith.constant 9984 : i32
          %dma_start3A_42 = arith.constant 0 : i32
          %dma_start3A_43 = tpu.memref_slice %arg10[%dma_start3A_41, %dma_start3A_42] : memref<10240x144xf32, #tpu.memory_space<vmem_shared>> -> memref<16x144xf32, #tpu.memory_space<vmem_shared>>
          tpu.enqueue_dma source(%dma_start3A_43 : memref<16x144xf32, #tpu.memory_space<vmem_shared>>) target(%dma_start3A_40 : memref<16x144xf32, #tpu.memory_space<vmem>>) target_semaphore(%run_scoped3A : memref<!tpu.dma_semaphore, #tpu.memory_space<semaphore_mem>>)
          %dma_wait3A = arith.constant 0 : i32
          %dma_wait3A_44 = arith.constant 0 : i32
          %dma_wait3A_45 = tpu.memref_slice %arg9[%dma_wait3A, %dma_wait3A_44] : memref<128x144xf32, #tpu.memory_space<vmem>> -> memref<16x144xf32, #tpu.memory_space<vmem>>
          %dma_wait3A_46 = arith.constant 9984 : i32
          %dma_wait3A_47 = arith.constant 0 : i32
          %dma_wait3A_48 = tpu.memref_slice %arg10[%dma_wait3A_46, %dma_wait3A_47] : memref<10240x144xf32, #tpu.memory_space<vmem_shared>> -> memref<16x144xf32, #tpu.memory_space<vmem_shared>>
          %dma_wait3A_49 = arith.constant 0 : i32
          %dma_wait3A_50 = arith.constant 0 : i32
          %dma_wait3A_51 = tpu.memref_slice %arg9[%dma_wait3A_49, %dma_wait3A_50] : memref<128x144xf32, #tpu.memory_space<vmem>> -> memref<16x144xf32, #tpu.memory_space<vmem>>
          %dma_wait3A_52 = arith.constant 9984 : i32
          %dma_wait3A_53 = arith.constant 0 : i32
          %dma_wait3A_54 = tpu.memref_slice %arg10[%dma_wait3A_52, %dma_wait3A_53] : memref<10240x144xf32, #tpu.memory_space<vmem_shared>> -> memref<16x144xf32, #tpu.memory_space<vmem_shared>>
          tpu.wait_dma2 semaphore(%run_scoped3A : memref<!tpu.dma_semaphore, #tpu.memory_space<semaphore_mem>>) src(%dma_wait3A_54 : memref<16x144xf32, #tpu.memory_space<vmem_shared>>) dst(%dma_wait3A_51 : memref<16x144xf32, #tpu.memory_space<vmem>>)
          tpu.yield
        }) : () -> ()
        %mul3A_29 = arith.constant 10000 : i32
        %mul3A_30 = arith.muli %add3A, %mul3A_29 : i32
        %add3A_31 = arith.constant 9984 : i32
        %add3A_32 = arith.addi %mul3A_30, %add3A_31 : i32
        "tpu.region"() ({
          %run_scoped3A = tpu.sem_alloc : memref<!tpu.dma_semaphore, #tpu.memory_space<semaphore_mem>>
          %dma_start3A = arith.constant 0 : i32
          %dma_start3A_33 = arith.constant 0 : i32
          %dma_start3A_34 = tpu.memref_slice %arg9[%dma_start3A, %dma_start3A_33] : memref<128x144xf32, #tpu.memory_space<vmem>> -> memref<16x144xf32, #tpu.memory_space<vmem>>
          %dma_start3A_35 = arith.constant 0 : i32
          %dma_start3A_36 = tpu.memref_slice %arg5[%add3A_32, %dma_start3A_35] : memref<80000x144xf32, #tpu.memory_space<hbm>> -> memref<16x144xf32, #tpu.memory_space<hbm>>
          %dma_start3A_37 = arith.constant 0 : i32
          %dma_start3A_38 = tpu.memref_slice %arg5[%add3A_32, %dma_start3A_37] : memref<80000x144xf32, #tpu.memory_space<hbm>> -> memref<16x144xf32, #tpu.memory_space<hbm>>
          %dma_start3A_39 = arith.constant 0 : i32
          %dma_start3A_40 = arith.constant 0 : i32
          %dma_start3A_41 = tpu.memref_slice %arg9[%dma_start3A_39, %dma_start3A_40] : memref<128x144xf32, #tpu.memory_space<vmem>> -> memref<16x144xf32, #tpu.memory_space<vmem>>
          tpu.enqueue_dma source(%dma_start3A_41 : memref<16x144xf32, #tpu.memory_space<vmem>>) target(%dma_start3A_38 : memref<16x144xf32, #tpu.memory_space<hbm>>) target_semaphore(%run_scoped3A : memref<!tpu.dma_semaphore, #tpu.memory_space<semaphore_mem>>)
          %dma_wait3A = arith.constant 0 : i32
          %dma_wait3A_42 = arith.constant 0 : i32
          %dma_wait3A_43 = tpu.memref_slice %arg9[%dma_wait3A, %dma_wait3A_42] : memref<128x144xf32, #tpu.memory_space<vmem>> -> memref<16x144xf32, #tpu.memory_space<vmem>>
          %dma_wait3A_44 = arith.constant 0 : i32
          %dma_wait3A_45 = tpu.memref_slice %arg5[%add3A_32, %dma_wait3A_44] : memref<80000x144xf32, #tpu.memory_space<hbm>> -> memref<16x144xf32, #tpu.memory_space<hbm>>
          %dma_wait3A_46 = arith.constant 0 : i32
          %dma_wait3A_47 = tpu.memref_slice %arg5[%add3A_32, %dma_wait3A_46] : memref<80000x144xf32, #tpu.memory_space<hbm>> -> memref<16x144xf32, #tpu.memory_space<hbm>>
          %dma_wait3A_48 = arith.constant 0 : i32
          %dma_wait3A_49 = arith.constant 0 : i32
          %dma_wait3A_50 = tpu.memref_slice %arg9[%dma_wait3A_48, %dma_wait3A_49] : memref<128x144xf32, #tpu.memory_space<vmem>> -> memref<16x144xf32, #tpu.memory_space<vmem>>
          tpu.wait_dma2 semaphore(%run_scoped3A : memref<!tpu.dma_semaphore, #tpu.memory_space<semaphore_mem>>) src(%dma_wait3A_50 : memref<16x144xf32, #tpu.memory_space<vmem>>) dst(%dma_wait3A_47 : memref<16x144xf32, #tpu.memory_space<hbm>>)
          tpu.yield
        }) : () -> ()
      } else {
      }
      %barrier3A_28 = arith.constant 0 : index
      tpu.barrier barrier_id(%barrier3A_28)
    }
    %scan3A_4 = arith.constant 8 : i32
    return
  }
}

module attributes {stable_mosaic.version = 14 : i64} {
  func.func @_tc_body(%arg0: i32, %arg1: memref<400x128xf32, #tpu.memory_space<vmem>>, %arg2: memref<8x400x144xf32, #tpu.memory_space<vmem>>, %arg3: memref<9x128x128xf32, #tpu.memory_space<vmem>>, %arg4: memref<400x128xf32, #tpu.memory_space<vmem>>) attributes {dimension_semantics = [#tpu.dimension_semantics<arbitrary>], iteration_bounds = array<i64: 25>, scalar_prefetch = 0 : i64, scratch_operands = 0 : i64, tpu.core_type = #tpu.core_type<tc>, window_params = [{transform_indices = @transform_0, window_bounds = array<i64: 400, 128>}, {transform_indices = @transform_1, window_bounds = array<i64: 8, 400, 144>}, {pipeline_mode = #tpu.pipeline_mode<synchronous>, transform_indices = @transform_2, window_bounds = array<i64: 9, 128, 128>}, {transform_indices = @transform_3, window_bounds = array<i64: 400, 128>}]} {
    %get3A = arith.constant 0 : index
    %get3A_0 = arith.constant 0 : index
    %get3A_1 = vector.load %arg1[%get3A, %get3A_0] : memref<400x128xf32, #tpu.memory_space<vmem>>, vector<400x128xf32>
    %get3A_2 = arith.constant 8 : index
    %get3A_3 = arith.constant 0 : index
    %get3A_4 = arith.constant 0 : index
    %get3A_5 = vector.load %arg3[%get3A_2, %get3A_3, %get3A_4] : memref<9x128x128xf32, #tpu.memory_space<vmem>>, vector<1x128x128xf32>
    %get3A_6 = vector.shape_cast %get3A_5 : vector<1x128x128xf32> to vector<128x128xf32>
    %dot_general3A = arith.constant dense<0.000000e+00> : vector<400x128xf32>
    %dot_general3A_7 = tpu.matmul %get3A_1, %get3A_6, %dot_general3A {dimension_numbers = #tpu.dot_dimension_numbers<[1], [0], [0], [1], [0, 0, 1, 1], [], []>, transpose_lhs_hint = false} : vector<400x128xf32>, vector<128x128xf32>, vector<400x128xf32> -> vector<400x128xf32>
    %get3A_8 = arith.constant 0 : index
    %get3A_9 = arith.constant 0 : index
    %get3A_10 = arith.constant 0 : index
    %get3A_11 = vector.load %arg2[%get3A_8, %get3A_9, %get3A_10] : memref<8x400x144xf32, #tpu.memory_space<vmem>>, vector<1x400x144xf32>
    %get3A_12 = vector.shape_cast %get3A_11 : vector<1x400x144xf32> to vector<400x144xf32>
    %slice3A = vector.extract_strided_slice %get3A_12 {offsets = [0, 128], sizes = [400, 1], strides = [1, 1]} : vector<400x144xf32> to vector<400x1xf32>
    %slice3A_13 = vector.extract_strided_slice %get3A_12 {offsets = [0, 0], sizes = [400, 128], strides = [1, 1]} : vector<400x144xf32> to vector<400x128xf32>
    %max3A = arith.constant 1.000000e+00 : f32
    %max3A_14 = vector.broadcast %max3A : f32 to vector<400x1xf32>
    %max3A_15 = arith.maximumf %slice3A, %max3A_14 : vector<400x1xf32>
    %div3A = vector.broadcast %max3A_15 : vector<400x1xf32> to vector<400x128xf32>
    %div3A_16 = arith.divf %slice3A_13, %div3A : vector<400x128xf32>
    %get3A_17 = arith.constant 0 : index
    %get3A_18 = arith.constant 0 : index
    %get3A_19 = arith.constant 0 : index
    %get3A_20 = vector.load %arg3[%get3A_17, %get3A_18, %get3A_19] : memref<9x128x128xf32, #tpu.memory_space<vmem>>, vector<1x128x128xf32>
    %get3A_21 = vector.shape_cast %get3A_20 : vector<1x128x128xf32> to vector<128x128xf32>
    %dot_general3A_22 = arith.constant dense<0.000000e+00> : vector<400x128xf32>
    %dot_general3A_23 = tpu.matmul %div3A_16, %get3A_21, %dot_general3A_22 {dimension_numbers = #tpu.dot_dimension_numbers<[1], [0], [0], [1], [0, 0, 1, 1], [], []>, transpose_lhs_hint = false} : vector<400x128xf32>, vector<128x128xf32>, vector<400x128xf32> -> vector<400x128xf32>
    %add3A = arith.addf %dot_general3A_7, %dot_general3A_23 : vector<400x128xf32>
    %get3A_24 = arith.constant 1 : index
    %get3A_25 = arith.constant 0 : index
    %get3A_26 = arith.constant 0 : index
    %get3A_27 = vector.load %arg2[%get3A_24, %get3A_25, %get3A_26] : memref<8x400x144xf32, #tpu.memory_space<vmem>>, vector<1x400x144xf32>
    %get3A_28 = vector.shape_cast %get3A_27 : vector<1x400x144xf32> to vector<400x144xf32>
    %slice3A_29 = vector.extract_strided_slice %get3A_28 {offsets = [0, 128], sizes = [400, 1], strides = [1, 1]} : vector<400x144xf32> to vector<400x1xf32>
    %slice3A_30 = vector.extract_strided_slice %get3A_28 {offsets = [0, 0], sizes = [400, 128], strides = [1, 1]} : vector<400x144xf32> to vector<400x128xf32>
    %max3A_31 = arith.constant 1.000000e+00 : f32
    %max3A_32 = vector.broadcast %max3A_31 : f32 to vector<400x1xf32>
    %max3A_33 = arith.maximumf %slice3A_29, %max3A_32 : vector<400x1xf32>
    %div3A_34 = vector.broadcast %max3A_33 : vector<400x1xf32> to vector<400x128xf32>
    %div3A_35 = arith.divf %slice3A_30, %div3A_34 : vector<400x128xf32>
    %get3A_36 = arith.constant 1 : index
    %get3A_37 = arith.constant 0 : index
    %get3A_38 = arith.constant 0 : index
    %get3A_39 = vector.load %arg3[%get3A_36, %get3A_37, %get3A_38] : memref<9x128x128xf32, #tpu.memory_space<vmem>>, vector<1x128x128xf32>
    %get3A_40 = vector.shape_cast %get3A_39 : vector<1x128x128xf32> to vector<128x128xf32>
    %dot_general3A_41 = arith.constant dense<0.000000e+00> : vector<400x128xf32>
    %dot_general3A_42 = tpu.matmul %div3A_35, %get3A_40, %dot_general3A_41 {dimension_numbers = #tpu.dot_dimension_numbers<[1], [0], [0], [1], [0, 0, 1, 1], [], []>, transpose_lhs_hint = false} : vector<400x128xf32>, vector<128x128xf32>, vector<400x128xf32> -> vector<400x128xf32>
    %add3A_43 = arith.addf %add3A, %dot_general3A_42 : vector<400x128xf32>
    %get3A_44 = arith.constant 2 : index
    %get3A_45 = arith.constant 0 : index
    %get3A_46 = arith.constant 0 : index
    %get3A_47 = vector.load %arg2[%get3A_44, %get3A_45, %get3A_46] : memref<8x400x144xf32, #tpu.memory_space<vmem>>, vector<1x400x144xf32>
    %get3A_48 = vector.shape_cast %get3A_47 : vector<1x400x144xf32> to vector<400x144xf32>
    %slice3A_49 = vector.extract_strided_slice %get3A_48 {offsets = [0, 128], sizes = [400, 1], strides = [1, 1]} : vector<400x144xf32> to vector<400x1xf32>
    %slice3A_50 = vector.extract_strided_slice %get3A_48 {offsets = [0, 0], sizes = [400, 128], strides = [1, 1]} : vector<400x144xf32> to vector<400x128xf32>
    %max3A_51 = arith.constant 1.000000e+00 : f32
    %max3A_52 = vector.broadcast %max3A_51 : f32 to vector<400x1xf32>
    %max3A_53 = arith.maximumf %slice3A_49, %max3A_52 : vector<400x1xf32>
    %div3A_54 = vector.broadcast %max3A_53 : vector<400x1xf32> to vector<400x128xf32>
    %div3A_55 = arith.divf %slice3A_50, %div3A_54 : vector<400x128xf32>
    %get3A_56 = arith.constant 2 : index
    %get3A_57 = arith.constant 0 : index
    %get3A_58 = arith.constant 0 : index
    %get3A_59 = vector.load %arg3[%get3A_56, %get3A_57, %get3A_58] : memref<9x128x128xf32, #tpu.memory_space<vmem>>, vector<1x128x128xf32>
    %get3A_60 = vector.shape_cast %get3A_59 : vector<1x128x128xf32> to vector<128x128xf32>
    %dot_general3A_61 = arith.constant dense<0.000000e+00> : vector<400x128xf32>
    %dot_general3A_62 = tpu.matmul %div3A_55, %get3A_60, %dot_general3A_61 {dimension_numbers = #tpu.dot_dimension_numbers<[1], [0], [0], [1], [0, 0, 1, 1], [], []>, transpose_lhs_hint = false} : vector<400x128xf32>, vector<128x128xf32>, vector<400x128xf32> -> vector<400x128xf32>
    %add3A_63 = arith.addf %add3A_43, %dot_general3A_62 : vector<400x128xf32>
    %get3A_64 = arith.constant 3 : index
    %get3A_65 = arith.constant 0 : index
    %get3A_66 = arith.constant 0 : index
    %get3A_67 = vector.load %arg2[%get3A_64, %get3A_65, %get3A_66] : memref<8x400x144xf32, #tpu.memory_space<vmem>>, vector<1x400x144xf32>
    %get3A_68 = vector.shape_cast %get3A_67 : vector<1x400x144xf32> to vector<400x144xf32>
    %slice3A_69 = vector.extract_strided_slice %get3A_68 {offsets = [0, 128], sizes = [400, 1], strides = [1, 1]} : vector<400x144xf32> to vector<400x1xf32>
    %slice3A_70 = vector.extract_strided_slice %get3A_68 {offsets = [0, 0], sizes = [400, 128], strides = [1, 1]} : vector<400x144xf32> to vector<400x128xf32>
    %max3A_71 = arith.constant 1.000000e+00 : f32
    %max3A_72 = vector.broadcast %max3A_71 : f32 to vector<400x1xf32>
    %max3A_73 = arith.maximumf %slice3A_69, %max3A_72 : vector<400x1xf32>
    %div3A_74 = vector.broadcast %max3A_73 : vector<400x1xf32> to vector<400x128xf32>
    %div3A_75 = arith.divf %slice3A_70, %div3A_74 : vector<400x128xf32>
    %get3A_76 = arith.constant 3 : index
    %get3A_77 = arith.constant 0 : index
    %get3A_78 = arith.constant 0 : index
    %get3A_79 = vector.load %arg3[%get3A_76, %get3A_77, %get3A_78] : memref<9x128x128xf32, #tpu.memory_space<vmem>>, vector<1x128x128xf32>
    %get3A_80 = vector.shape_cast %get3A_79 : vector<1x128x128xf32> to vector<128x128xf32>
    %dot_general3A_81 = arith.constant dense<0.000000e+00> : vector<400x128xf32>
    %dot_general3A_82 = tpu.matmul %div3A_75, %get3A_80, %dot_general3A_81 {dimension_numbers = #tpu.dot_dimension_numbers<[1], [0], [0], [1], [0, 0, 1, 1], [], []>, transpose_lhs_hint = false} : vector<400x128xf32>, vector<128x128xf32>, vector<400x128xf32> -> vector<400x128xf32>
    %add3A_83 = arith.addf %add3A_63, %dot_general3A_82 : vector<400x128xf32>
    %get3A_84 = arith.constant 4 : index
    %get3A_85 = arith.constant 0 : index
    %get3A_86 = arith.constant 0 : index
    %get3A_87 = vector.load %arg2[%get3A_84, %get3A_85, %get3A_86] : memref<8x400x144xf32, #tpu.memory_space<vmem>>, vector<1x400x144xf32>
    %get3A_88 = vector.shape_cast %get3A_87 : vector<1x400x144xf32> to vector<400x144xf32>
    %slice3A_89 = vector.extract_strided_slice %get3A_88 {offsets = [0, 128], sizes = [400, 1], strides = [1, 1]} : vector<400x144xf32> to vector<400x1xf32>
    %slice3A_90 = vector.extract_strided_slice %get3A_88 {offsets = [0, 0], sizes = [400, 128], strides = [1, 1]} : vector<400x144xf32> to vector<400x128xf32>
    %max3A_91 = arith.constant 1.000000e+00 : f32
    %max3A_92 = vector.broadcast %max3A_91 : f32 to vector<400x1xf32>
    %max3A_93 = arith.maximumf %slice3A_89, %max3A_92 : vector<400x1xf32>
    %div3A_94 = vector.broadcast %max3A_93 : vector<400x1xf32> to vector<400x128xf32>
    %div3A_95 = arith.divf %slice3A_90, %div3A_94 : vector<400x128xf32>
    %get3A_96 = arith.constant 4 : index
    %get3A_97 = arith.constant 0 : index
    %get3A_98 = arith.constant 0 : index
    %get3A_99 = vector.load %arg3[%get3A_96, %get3A_97, %get3A_98] : memref<9x128x128xf32, #tpu.memory_space<vmem>>, vector<1x128x128xf32>
    %get3A_100 = vector.shape_cast %get3A_99 : vector<1x128x128xf32> to vector<128x128xf32>
    %dot_general3A_101 = arith.constant dense<0.000000e+00> : vector<400x128xf32>
    %dot_general3A_102 = tpu.matmul %div3A_95, %get3A_100, %dot_general3A_101 {dimension_numbers = #tpu.dot_dimension_numbers<[1], [0], [0], [1], [0, 0, 1, 1], [], []>, transpose_lhs_hint = false} : vector<400x128xf32>, vector<128x128xf32>, vector<400x128xf32> -> vector<400x128xf32>
    %add3A_103 = arith.addf %add3A_83, %dot_general3A_102 : vector<400x128xf32>
    %get3A_104 = arith.constant 5 : index
    %get3A_105 = arith.constant 0 : index
    %get3A_106 = arith.constant 0 : index
    %get3A_107 = vector.load %arg2[%get3A_104, %get3A_105, %get3A_106] : memref<8x400x144xf32, #tpu.memory_space<vmem>>, vector<1x400x144xf32>
    %get3A_108 = vector.shape_cast %get3A_107 : vector<1x400x144xf32> to vector<400x144xf32>
    %slice3A_109 = vector.extract_strided_slice %get3A_108 {offsets = [0, 128], sizes = [400, 1], strides = [1, 1]} : vector<400x144xf32> to vector<400x1xf32>
    %slice3A_110 = vector.extract_strided_slice %get3A_108 {offsets = [0, 0], sizes = [400, 128], strides = [1, 1]} : vector<400x144xf32> to vector<400x128xf32>
    %max3A_111 = arith.constant 1.000000e+00 : f32
    %max3A_112 = vector.broadcast %max3A_111 : f32 to vector<400x1xf32>
    %max3A_113 = arith.maximumf %slice3A_109, %max3A_112 : vector<400x1xf32>
    %div3A_114 = vector.broadcast %max3A_113 : vector<400x1xf32> to vector<400x128xf32>
    %div3A_115 = arith.divf %slice3A_110, %div3A_114 : vector<400x128xf32>
    %get3A_116 = arith.constant 5 : index
    %get3A_117 = arith.constant 0 : index
    %get3A_118 = arith.constant 0 : index
    %get3A_119 = vector.load %arg3[%get3A_116, %get3A_117, %get3A_118] : memref<9x128x128xf32, #tpu.memory_space<vmem>>, vector<1x128x128xf32>
    %get3A_120 = vector.shape_cast %get3A_119 : vector<1x128x128xf32> to vector<128x128xf32>
    %dot_general3A_121 = arith.constant dense<0.000000e+00> : vector<400x128xf32>
    %dot_general3A_122 = tpu.matmul %div3A_115, %get3A_120, %dot_general3A_121 {dimension_numbers = #tpu.dot_dimension_numbers<[1], [0], [0], [1], [0, 0, 1, 1], [], []>, transpose_lhs_hint = false} : vector<400x128xf32>, vector<128x128xf32>, vector<400x128xf32> -> vector<400x128xf32>
    %add3A_123 = arith.addf %add3A_103, %dot_general3A_122 : vector<400x128xf32>
    %get3A_124 = arith.constant 6 : index
    %get3A_125 = arith.constant 0 : index
    %get3A_126 = arith.constant 0 : index
    %get3A_127 = vector.load %arg2[%get3A_124, %get3A_125, %get3A_126] : memref<8x400x144xf32, #tpu.memory_space<vmem>>, vector<1x400x144xf32>
    %get3A_128 = vector.shape_cast %get3A_127 : vector<1x400x144xf32> to vector<400x144xf32>
    %slice3A_129 = vector.extract_strided_slice %get3A_128 {offsets = [0, 128], sizes = [400, 1], strides = [1, 1]} : vector<400x144xf32> to vector<400x1xf32>
    %slice3A_130 = vector.extract_strided_slice %get3A_128 {offsets = [0, 0], sizes = [400, 128], strides = [1, 1]} : vector<400x144xf32> to vector<400x128xf32>
    %max3A_131 = arith.constant 1.000000e+00 : f32
    %max3A_132 = vector.broadcast %max3A_131 : f32 to vector<400x1xf32>
    %max3A_133 = arith.maximumf %slice3A_129, %max3A_132 : vector<400x1xf32>
    %div3A_134 = vector.broadcast %max3A_133 : vector<400x1xf32> to vector<400x128xf32>
    %div3A_135 = arith.divf %slice3A_130, %div3A_134 : vector<400x128xf32>
    %get3A_136 = arith.constant 6 : index
    %get3A_137 = arith.constant 0 : index
    %get3A_138 = arith.constant 0 : index
    %get3A_139 = vector.load %arg3[%get3A_136, %get3A_137, %get3A_138] : memref<9x128x128xf32, #tpu.memory_space<vmem>>, vector<1x128x128xf32>
    %get3A_140 = vector.shape_cast %get3A_139 : vector<1x128x128xf32> to vector<128x128xf32>
    %dot_general3A_141 = arith.constant dense<0.000000e+00> : vector<400x128xf32>
    %dot_general3A_142 = tpu.matmul %div3A_135, %get3A_140, %dot_general3A_141 {dimension_numbers = #tpu.dot_dimension_numbers<[1], [0], [0], [1], [0, 0, 1, 1], [], []>, transpose_lhs_hint = false} : vector<400x128xf32>, vector<128x128xf32>, vector<400x128xf32> -> vector<400x128xf32>
    %add3A_143 = arith.addf %add3A_123, %dot_general3A_142 : vector<400x128xf32>
    %get3A_144 = arith.constant 7 : index
    %get3A_145 = arith.constant 0 : index
    %get3A_146 = arith.constant 0 : index
    %get3A_147 = vector.load %arg2[%get3A_144, %get3A_145, %get3A_146] : memref<8x400x144xf32, #tpu.memory_space<vmem>>, vector<1x400x144xf32>
    %get3A_148 = vector.shape_cast %get3A_147 : vector<1x400x144xf32> to vector<400x144xf32>
    %slice3A_149 = vector.extract_strided_slice %get3A_148 {offsets = [0, 128], sizes = [400, 1], strides = [1, 1]} : vector<400x144xf32> to vector<400x1xf32>
    %slice3A_150 = vector.extract_strided_slice %get3A_148 {offsets = [0, 0], sizes = [400, 128], strides = [1, 1]} : vector<400x144xf32> to vector<400x128xf32>
    %max3A_151 = arith.constant 1.000000e+00 : f32
    %max3A_152 = vector.broadcast %max3A_151 : f32 to vector<400x1xf32>
    %max3A_153 = arith.maximumf %slice3A_149, %max3A_152 : vector<400x1xf32>
    %div3A_154 = vector.broadcast %max3A_153 : vector<400x1xf32> to vector<400x128xf32>
    %div3A_155 = arith.divf %slice3A_150, %div3A_154 : vector<400x128xf32>
    %get3A_156 = arith.constant 7 : index
    %get3A_157 = arith.constant 0 : index
    %get3A_158 = arith.constant 0 : index
    %get3A_159 = vector.load %arg3[%get3A_156, %get3A_157, %get3A_158] : memref<9x128x128xf32, #tpu.memory_space<vmem>>, vector<1x128x128xf32>
    %get3A_160 = vector.shape_cast %get3A_159 : vector<1x128x128xf32> to vector<128x128xf32>
    %dot_general3A_161 = arith.constant dense<0.000000e+00> : vector<400x128xf32>
    %dot_general3A_162 = tpu.matmul %div3A_155, %get3A_160, %dot_general3A_161 {dimension_numbers = #tpu.dot_dimension_numbers<[1], [0], [0], [1], [0, 0, 1, 1], [], []>, transpose_lhs_hint = false} : vector<400x128xf32>, vector<128x128xf32>, vector<400x128xf32> -> vector<400x128xf32>
    %add3A_163 = arith.addf %add3A_143, %dot_general3A_162 : vector<400x128xf32>
    %swap3A = arith.constant 0 : index
    %swap3A_164 = arith.constant 0 : index
    %swap3A_165 = vector.load %arg4[%swap3A, %swap3A_164] : memref<400x128xf32, #tpu.memory_space<vmem>>, vector<400x128xf32>
    tpu.vector_store %arg4[%swap3A, %swap3A_164], %add3A_163 {strides = array<i32>} : memref<400x128xf32, #tpu.memory_space<vmem>>, vector<400x128xf32>,
    return
  }
  func.func @transform_0(%arg0: i32) -> (i32, i32) {
    %c0_i32 = arith.constant 0 : i32
    %c0_i32_0 = arith.constant 0 : i32
    return %arg0, %c0_i32 : i32, i32
  }
  func.func @transform_1(%arg0: i32) -> (i32, i32, i32) {
    %c0_i32 = arith.constant 0 : i32
    %c0_i32_0 = arith.constant 0 : i32
    %c0_i32_1 = arith.constant 0 : i32
    return %c0_i32, %arg0, %c0_i32_0 : i32, i32, i32
  }
  func.func @transform_2(%arg0: i32) -> (i32, i32, i32) {
    %c0_i32 = arith.constant 0 : i32
    %c0_i32_0 = arith.constant 0 : i32
    %c0_i32_1 = arith.constant 0 : i32
    %c0_i32_2 = arith.constant 0 : i32
    return %c0_i32, %c0_i32_0, %c0_i32_1 : i32, i32, i32
  }
  func.func @transform_3(%arg0: i32) -> (i32, i32) {
    %c0_i32 = arith.constant 0 : i32
    %c0_i32_0 = arith.constant 0 : i32
    return %arg0, %c0_i32 : i32, i32
  }
}

</mosaic_0001>

<sc_bundles>
// kernel: kernel.4.cloned.1.call-start
scs
__scs_entry_jumppad:
0x0: {  	(pc) =	sbr.rel $0x88, $3  }
0x1: {  	(tag) =	ssettag $0x0;
	lr =	simm.s32 $0x1  }
0x2: {  	[smem:$0x3F9C] =	sst lr;
	_ =	strace $0xD0000000  }
0x3: {  	_ = 	snop  }
0x4: {  	_ = 	snop  }
0x5: {  	_ = 	snop  }
0x6: {  	_ = 	snop  }
0x7: {  	_ = 	snop  }
__scs_overlays_trampoline_lowered:
0x8: {  	[smem:$0x3FAB] =	sst s0  }
0x9: {  	[smem:$0x3FAC] =	sst s1  }
0xa: {  	[smem:$0x3FAD] =	sst s2  }
0xb: {  	[smem:$0x3FAE] =	sst s3  }
0xc: {  	[smem:$0x3FAF] =	sst s4  }
0xd: {  	[smem:$0x3FB0] =	sst s5  }
0xe: {  	[smem:$0x3FB1] =	sst s6  }
0xf: {  	[smem:$0x3FB2] =	sst s7  }
0x10: {  	[smem:$0x3FB3] =	sst s8  }
0x11: {  	[smem:$0x3FB4] =	sst s9;
	s0 =	simm.s32 @!p0 $0x0  }
0x12: {  	s1 =	sld [smem:$0x3F9A];
	s0 =	simm.s32 @p0 $0x1  }
0x13: {  	[smem:$0x3FB5] =	sst s0;
	s0 =	simm.s32 @!p1 $0x0  }
0x14: {  	s2 =	sld [smem:$0x3F99];
	s0 =	simm.s32 @p1 $0x1  }
0x15: {  	[smem:$0x3FB6] =	sst s0;
	s0 =	simm.s32 @!p2 $0x0  }
0x16: {  	s3 =	sld [smem:$0x3FDB];
	s0 =	simm.s32 @p2 $0x1  }
0x17: {  	s4 =	simm.s32 $0x1BF5;
	[smem:$0x3FB8] =	sst s0  }
0x18: {  	s0 =	sld [smem:$0x3F9B];
	_ =	swait.ge [sflag:s4], $0x0  }
0x19: {  	s7 =	sld [smem:$0x3F9C]  }
0x1a: {  	s8 =	sadd.s32 $0xFFFFE003, lr  }
0x1b: {  	s9 =	sadd.s32 $0xFFFFFEF7, lr;
	s5 =	simm.s32 $0xFFFFFFFF;
	p2 =	slt.u32 s8, $0xFFFFF086  }
0x1c: {  	p1 =	slt.u32 s9, $0xF7A;
	s5 =	simm.s32 @!p2 $0x0  }
0x1d: {  	s5 =	simm.s32 @p1 $0x1;
	p0 =	seq.s32 s7, s2  }
0x1e: {  	s7 =	smul.u32 @!p0 $0xF7A, s2;
	p2 =	seq.s32 @!p0 s5, $0x0  }
0x1f: {  	s9 =	smul.u32 $0xF7A, s1;
	s8 =	simm.s32 @!p0 $0x1BF5;
	p2 =	por !p2, p0  }
0x20: {  	[sflag:s8] =	ssyncset.s32 @!p0 $0xFFFFF086;
	s6 =	sadd.s32 @!p0 s3, s7;
	s7 =	simm.s32 @!p0 $0x108  }
0x21: {  	s3 =	sadd.s32 s3, s9;
	s6 =	sadd.s32 @!p0 $0x88, s6;
	s7 =	simm.s32 @p2 $0x1082  }
0x22: {  	[simem:s7], [sflag:s8] =	dma.local @!p0 [hbm:s6], $0xF7A  }
0x23: {  	s9 =	sor.u32 $0xD0000000, s2;
	s6 =	simm.s32 $0x108;
	_ =	swait.ge @!p0 [sflag:s8], $0x0  }
0x24: {  	s3 =	sadd.s32 $0x88, s3;
	s6 =	simm.s32 @!p1 $0x1082;
	[sflag:s4] =	ssyncset.s32 $0xFFFFF086  }
0x25: {  	[simem:s6], [sflag:s4] =	dma.local [hbm:s3], $0xF7A  }
0x26: {  	[smem:$0x3F9C] =	sst s1;
	(tag) =	ssettag s2;
	_ =	strace s9  }
0x27: {  	s1 =	sld [smem:$0x3FAC]  }
0x28: {  	s2 =	sld [smem:$0x3FAD]  }
0x29: {  	s4 =	sld [smem:$0x3FAF]  }
0x2a: {  	p0 =	seq.s32 s5, $0x0;
	s5 =	sld [smem:$0x3FB0]  }
0x2b: {  	s6 =	sld [smem:$0x3FB1]  }
0x2c: {  	s7 =	sld [smem:$0x3FB2]  }
0x2d: {  	s3 =	simm.s32 $0x108;
	s8 =	sld [smem:$0x3FB3]  }
0x2e: {  	s3 =	simm.s32 @!p0 $0x1082;
	s9 =	sld [smem:$0x3FB4]  }
0x2f: {  	lr =	sadd.s32 s0, s3;
	s0 =	sld [smem:$0x3FAB]  }
0x30: {  	s3 =	sld [smem:$0x3FAE]  }
0x31: {  	[smem:$0x3FB7] =	sst s10  }
0x32: {  	s10 =	sld [smem:$0x3FB5];
	_ =	sdelay $0x3  }
0x33: {  	p0 =	seq.s32 s10, $0x1;
	s10 =	sld [smem:$0x3FB7];
	_ =	sdelay $0x3  }
0x34: {  	[smem:$0x3FB7] =	sst s10  }
0x35: {  	s10 =	sld [smem:$0x3FB6];
	_ =	sdelay $0x3  }
0x36: {  	p1 =	seq.s32 s10, $0x1;
	s10 =	sld [smem:$0x3FB7];
	_ =	sdelay $0x3  }
0x37: {  	[smem:$0x3FB7] =	sst s10  }
0x38: {  	s10 =	sld [smem:$0x3FB8]  }
0x39: {  	_ = 	snop;
	(pc) =	sbr.ind lr, $3  }
0x3a: {  	_ = 	snop  }
0x3b: {  	_ = 	snop  }
0x3c: {  	p2 =	seq.s32 s10, $0x1;
	s10 =	sld [smem:$0x3FB7]  }
0x3d: {  	_ =	shalt  }
0x3e: {  	_ =	shalt  }
0x3f: {  	_ =	shalt  }
0x40: {  	_ =	shalt  }
0x41: {  	_ =	shalt  }
0x42: {  	_ =	shalt  }
0x43: {  	_ =	shalt  }
0x44: {  	_ =	shalt  }
0x45: {  	_ =	shalt  }
0x46: {  	_ =	shalt  }
0x47: {  	_ =	shalt  }
0x48: {  	_ =	shalt  }
0x49: {  	_ =	shalt  }
0x4a: {  	_ =	shalt  }
0x4b: {  	_ =	shalt  }
0x4c: {  	_ =	shalt  }
0x4d: {  	_ =	shalt  }
0x4e: {  	_ =	shalt  }
0x4f: {  	_ =	shalt  }
0x50: {  	_ =	shalt  }
0x51: {  	_ =	shalt  }
0x52: {  	_ =	shalt  }
0x53: {  	_ =	shalt  }
0x54: {  	_ =	shalt  }
0x55: {  	_ =	shalt  }
0x56: {  	_ =	shalt  }
0x57: {  	_ =	shalt  }
0x58: {  	_ =	shalt  }
0x59: {  	_ =	shalt  }
0x5a: {  	_ =	shalt  }
0x5b: {  	_ =	shalt  }
0x5c: {  	_ =	shalt  }
0x5d: {  	_ =	shalt  }
0x5e: {  	_ =	shalt  }
0x5f: {  	_ =	shalt  }
0x60: {  	_ =	shalt  }
0x61: {  	_ =	shalt  }
0x62: {  	_ =	shalt  }
0x63: {  	_ =	shalt  }
0x64: {  	_ =	shalt  }
0x65: {  	_ =	shalt  }
0x66: {  	_ =	shalt  }
0x67: {  	_ =	shalt  }
0x68: {  	_ =	shalt  }
0x69: {  	_ =	shalt  }
0x6a: {  	_ =	shalt  }
0x6b: {  	_ =	shalt  }
0x6c: {  	_ =	shalt  }
0x6d: {  	_ =	shalt  }
0x6e: {  	_ =	shalt  }
0x6f: {  	_ =	shalt  }
0x70: {  	_ =	shalt  }
0x71: {  	_ =	shalt  }
0x72: {  	_ =	shalt  }
0x73: {  	_ =	shalt  }
0x74: {  	_ =	shalt  }
0x75: {  	_ =	shalt  }
0x76: {  	_ =	shalt  }
0x77: {  	_ =	shalt  }
0x78: {  	_ =	shalt  }
0x79: {  	_ =	shalt  }
0x7a: {  	_ =	shalt  }
0x7b: {  	_ =	shalt  }
0x7c: {  	_ =	shalt  }
0x7d: {  	_ =	shalt  }
0x7e: {  	_ =	shalt  }
0x7f: {  	_ =	shalt  }
0x80: {  	_ =	shalt  }
0x81: {  	_ =	shalt  }
0x82: {  	_ =	shalt  }
0x83: {  	_ =	shalt  }
0x84: {  	_ =	shalt  }
0x85: {  	_ =	shalt  }
0x86: {  	_ =	shalt  }
0x87: {  	_ =	shalt  }
.Lfunc_end0:
.L_simem_size_0:
called_computation_lowered:
.L_overlay_start_0:
0x88: {  	s0 =	sld [smem:$0x3FD9]  }
0x89: {  	s1 =	sld [smem:$0x3FFE];
	_ =	sdelay $0x3  }
0x8a: {  	s0 =	sadd.s32 s1, s0  }
0x8b: {  	[smem:$0x3FC3] =	sst s0  }
0x8c: {  	_ = 	snop  }
0x8d: {  	s0 =	sld [smem:$0x3FD0];
	(tm) =	ssettm $0x1  }
0x8e: {  	s16 =	sld [smem:$0x3FFB];
	_ =	sdelay $0x3  }
0x8f: {  	_ =	strace s16  }
0x90: {  	s1 =	sld [smem:$0x3FFC];
	_ =	sdelay $0x3  }
0x91: {  	_ =	strace s1  }
0x92: {  	s1 =	sld [smem:$0x3FFD];
	_ =	sdelay $0x3  }
0x93: {  	_ =	strace s1  }
0x94: {  	_ =	strace $0x8FFFFFFF  }
0x95: {  	s17 =	sld [smem:$0x3FDB];
	_ =	sdelay $0x1  }
0x96: {  	s2 =	simm.s32 $_scs_section_size  }
0x97: {  	s3 =	simm.s32 $_size__tile_overlayer_lowered;
	s4 =	simm.s32 $_tile_overlayer_lowered  }
0x98: {  	s20 =	simm.s32 $0x1BFF;
	s19 =	sshll.u32 s4, $0x1;
	s1 =	sadd.s32 s2, s17  }
0x99: {  	s5 =	simm.s32 $0x0;
	s18 =	sshll.u32 s3, $0x1;
	s3 =	sadd.s32 s19, s1  }
0x9a: {  	[timem:s5], [sflag:s20] =	dma.local [hbm:s3], s18  }
0x9b: {  	_ =	swait.ge [sflag:s20], s18  }
0x9c: {  	s2 =	ssub.s32 $0x0, s18;
	[sflag:s20] =	ssyncset.done $0x0  }
0x9d: {  	[sflag:s20] =	ssyncadd.s32 s2;
	_ =	sdelay $0x1  }
0x9e: {  	s21 =	simm.s32 $0x1B8B  }
0x9f: {  	_ =	swait.ge [sflag:s21], $0x1  }
0xa0: {  	[sflag:s21] =	ssyncset.done $0x0  }
0xa1: {  	s23 =	simm.s32 $0x1B8E;
	s22 =	sld [smem:$0x3FFE];
	[sflag:s21] =	ssyncadd.s32 $0xFFFFFFFF  }
0xa2: {  	s24 =	simm.s32 $execute0_lowered;
	[smem:$0x3FD2] =	sst s23  }
0xa3: {  	s3 =	sshll.u32 s24, $0x1;
	_ =	strace $0x80000046;
	[dreg:$0x1] =	wrdreg $0xFFFFFFFF  }
0xa4: {  	s25 =	simm.s32 $_size_execute0_lowered;
	s1 =	sadd.s32 s1, s3;
	[dreg:$0x0] =	wrdreg $0x0  }
0xa5: {  	s3 =	sshll.u32 s25, $0x1;
	[dreg:$0x2] =	wrdreg s1  }
0xa6: {  	[dreg:$0x3] =	wrdreg s3  }
0xa7: {  	[dreg:$0x4] =	wrdreg $0xC0  }
0xa8: {  	_ =	task [dreg:s5], $0x5FFFF  }
0xa9: {  	[dreg:$0x1] =	wrdreg $0xFFFFFFFF  }
0xaa: {  	[dreg:$0x0] =	wrdreg $0x60  }
0xab: {  	[dreg:$0x2] =	wrdreg s22  }
0xac: {  	[dreg:$0x3] =	wrdreg s0  }
0xad: {  	[dreg:$0x4] =	wrdreg $0x53000  }
0xae: {  	[dreg:$0x5] =	wrdreg $0x9  }
0xaf: {  	_ =	task.clear_ibuf [dreg:s5], $0x6FFFF;
	_ =	strace $0x90000046  }
0xb0: {  	s26 =	simm.s32 $0x9;
	_ =	strace $0x80000048  }
0xb1: {  	_ =	swait.ge [sflag:s26], $0x1  }
0xb2: {  	[sflag:s26] =	ssyncadd.s32 $0xFFFFFFFF  }
0xb3: {  	_ =	strace $0x90000048  }
0xb4: {  	_ =	sfence  }
0xb5: {  	s28 =	sld [smem:$0x0];
	_ =	sdelay $0x1  }
0xb6: {  	s29 =	srdreg.scid  }
0xb7: {  	s30 =	sshll.u32 s29, $0xD;
	s31 =	sshrl.u32 s29, $0x2  }
0xb8: {  	s2 =	sand.u32 $0x4000, s30;
	s1 =	sand.u32 $0x1, s29;
	s0 =	sadd.s32 s31, s28  }
0xb9: {  	s1 =	sor.u32 s2, s1;
	s0 =	sshll.u32 s0, $0x11  }
0xba: {  	s0 =	sor.u32 s0, s1  }
0xbb: {  	s0 =	sadd.s32 $0x8F2B, s0  }
0xbc: {  	[sflag:s0] =	ssyncadd.remote.s32 $0x1  }
0xbd: {  	_ =	sfence.sel $0xFFFF  }
0xbe: {  	[dreg:$0x0] =	wrdreg $0xFFFFFFFF;
	(pc) =	sbr.abs _section_cstart, $3  }
0xbf: {  	[dreg:$0x1] =	wrdreg $0xFFFFFFFF  }
0xc0: {  	_ =	task.clear_ibuf [dreg:s5], $0x2FFFF;
	_ =	strace $0x9FFFFFFF  }
0xc1: {  	(tm) =	ssettm $0x7FFFFFFF  }
tec
execute0_lowered:
.L_overlay_start_1:
0x0: {  	(tag) =	ssettag $0x1  }
0x1: {  	s0 =	rddreg [dreg:$0x0]  }
0x2: {  	s2 =	rddreg [dreg:$0x2];
	s3 =	simm.s32 $0x0;
	s1 =	stileid.u32  }
0x3: {  	s28 =	simm.s32 $0x1;
	s29 =	simm.s32 $0x80;
	s30 =	simm.s32 $0xA00  }
0x4: {  	s31 =	simm.s32 $0xA80;
	[smem:$0x7FF] =	sst s3;
	s5 =	smul.u32 $0x5A000, s1  }
0x5: {  	s4 =	sadd.s32 $0x1400, s0;
	s6 =	sadd.s32 $0x2D400, s0;
	s9 =	smul.u32 $0xA00, s1  }
0x6: {  	s22 =	sadd.s32 $0x15F000, s2;
	_ =	strace $0x80000047;
	[dreg:$0x4] =	wrdreg s6  }
0x7: {  	s7 =	sadd.s32 $0x2DE00, s0;
	s11 =	smul.u32 $0x57C00, s1;
	[dreg:$0x6] =	wrdreg s22  }
0x8: {  	p0 =	sne.s32 s1, $0x0;
	s6 =	smul.u32 $0x270, s1;
	[dreg:$0x5] =	wrdreg s9  }
0x9: {  	s10 =	sshrl.u32 s5, $0x2;
	s16 =	sshrl.u32 s11, $0x2;
	s18 =	sadd.s32 $0x1D400, s11  }
0xa: {  	s25 =	sadd.s32 $0x2BE00, s11;
	s22 =	sadd.s32 $0x3A800, s11;
	s0 =	sadd.s32 $0x49200, s11  }
0xb: {  	s9 =	sadd.s32 s10, s2;
	s10 =	sadd.s32 $0x68, s6;
	s16 =	sadd.s32 s16, s2  }
0xc: {  	s24 =	sshrl.u32 s18, $0x2;
	s18 =	sadd.s32 $0xD0, s6;
	s20 =	sadd.s32 $0x138, s6  }
0xd: {  	s26 =	sshrl.u32 s22, $0x2;
	s22 =	sadd.s32 $0x1A0, s6;
	s0 =	sshrl.u32 s0, $0x2  }
0xe: {  	s12 =	sadd.s32 $0x4800, s9;
	s23 =	smul.u32 $0x240, s10;
	s13 =	sadd.s32 $0x9000, s9  }
0xf: {  	s14 =	sadd.s32 $0xD800, s9;
	s15 =	sadd.s32 $0x12000, s9;
	s19 =	sadd.s32 s24, s2  }
0x10: {  	s24 =	sadd.s32 $0x208, s6;
	s5 =	sshrl.u32 s23, $0x2;
	s23 =	sadd.s32 s26, s2  }
0x11: {  	s26 =	simm.s32 $0xB00;
	s17 =	sadd.s32 s5, s2;
	s5 =	sshrl.u32 s25, $0x2  }
0x12: {  	s25 =	sadd.s32 s0, s2;
	s0 =	simm.s32 $0x0;
	s21 =	sadd.s32 s5, s2  }
.LBB2_1:
0x13: {  	s1 =	rddreg [dreg:$0x4]  }
0x14: {  	[tilespmem:s26], [sflag:$0x1] =	stream.linear.gather [hbm4b:s1+s3], $0x4800, $0x38;
	[tilespmem:$0x1BB00] =	vst v63  }
0x15: {  	_ =	swait.ge [sflag:s28], $0x4800  }
0x16: {  	[sflag:s28] =	ssyncset.done $0x0  }
0x17: {  	[sflag:s28] =	ssyncadd.s32 $0xFFFFB800  }
0x18: {  	[spmem:s9] =	stream.linear.scatter [tilespmem:s26], [sflag:$0x1], $0x4800, $0x38;
	[tilespmem:$0x1BB00] =	vst v63  }
0x19: {  	_ =	swait.ge [sflag:s28], $0x4800  }
0x1a: {  	[sflag:s28] =	ssyncset.done $0x0  }
0x1b: {  	[sflag:s28] =	ssyncadd.s32 $0xFFFFB800  }
0x1c: {  	[spmem:s12] =	stream.linear.scatter [tilespmem:s26], [sflag:$0x1], $0x4800, $0x38;
	[tilespmem:$0x1BB00] =	vst v63  }
0x1d: {  	_ =	swait.ge [sflag:s28], $0x4800  }
0x1e: {  	[sflag:s28] =	ssyncset.done $0x0  }
0x1f: {  	[sflag:s28] =	ssyncadd.s32 $0xFFFFB800  }
0x20: {  	[spmem:s13] =	stream.linear.scatter [tilespmem:s26], [sflag:$0x1], $0x4800, $0x38;
	[tilespmem:$0x1BB00] =	vst v63  }
0x21: {  	_ =	swait.ge [sflag:s28], $0x4800  }
0x22: {  	[sflag:s28] =	ssyncset.done $0x0  }
0x23: {  	[sflag:s28] =	ssyncadd.s32 $0xFFFFB800  }
0x24: {  	[spmem:s14] =	stream.linear.scatter [tilespmem:s26], [sflag:$0x1], $0x4800, $0x38;
	[tilespmem:$0x1BB00] =	vst v63  }
0x25: {  	_ =	swait.ge [sflag:s28], $0x4800  }
0x26: {  	[sflag:s28] =	ssyncset.done $0x0  }
0x27: {  	[sflag:s28] =	ssyncadd.s32 $0xFFFFB800  }
0x28: {  	[spmem:s15] =	stream.linear.scatter [tilespmem:s26], [sflag:$0x1], $0x4800, $0x38;
	[tilespmem:$0x1BB00] =	vst v63  }
0x29: {  	s11 =	smul.u32 $0xA000, s0;
	_ =	swait.ge [sflag:s28], $0x4800  }
0x2a: {  	s5 =	rddreg [dreg:$0x5];
	[sflag:s28] =	ssyncset.done $0x0  }
0x2b: {  	s1 =	sadd.s32 s5, s11;
	[sflag:s28] =	ssyncadd.s32 $0xFFFFB800  }
0x2c: {  	s1 =	sshrl.u32 s1, $0x3;
	s8 =	rddreg [dreg:$0x1]  }
0x2d: {  	s1 =	sadd.s32 s8, s1  }
0x2e: {  	[tilespmem:s3], [sflag:$0x1] =	stream.linear.gather [hbm4b:s1+s3], $0xA00, $0x38;
	[tilespmem:$0x1BB00] =	vst v63  }
0x2f: {  	_ =	swait.ge [sflag:s28], $0xA00  }
0x30: {  	[sflag:s28] =	ssyncset.done $0x0  }
0x31: {  	[sflag:s28] =	ssyncadd.s32 $0xFFFFF600  }
0x32: {  	s11 =	simm.s32 $0x0;
	[bflag:$0x0] =	sbarrier.arrive $0xFFFF  }
0x33: {  	v0 =	vld [tilespmem:s11+$0x0];
	_ =	sdelay $0x4  }
0x34: {  	v1 =	vand.u32 $0xFFFF, v0  }
0x35: {  	v0 =	vshra.s32 v0, $0x10;
	[tilespmem:$0xA00] =	vst v1  }
0x36: {  	[tilespmem:$0xA80] =	vst v0  }
0x37: {  	v0 =	vld [tilespmem:s11+$0x10];
	_ =	sdelay $0x4  }
0x38: {  	v1 =	vand.u32 $0xFFFF, v0  }
0x39: {  	v0 =	vshra.s32 v0, $0x10;
	[tilespmem:$0xA10] =	vst v1  }
0x3a: {  	[tilespmem:$0xA90] =	vst v0  }
0x3b: {  	v0 =	vld [tilespmem:s11+$0x20];
	_ =	sdelay $0x4  }
0x3c: {  	v1 =	vand.u32 $0xFFFF, v0  }
0x3d: {  	v0 =	vshra.s32 v0, $0x10;
	[tilespmem:$0xA20] =	vst v1  }
0x3e: {  	[tilespmem:$0xAA0] =	vst v0  }
0x3f: {  	v0 =	vld [tilespmem:s11+$0x30];
	_ =	sdelay $0x4  }
0x40: {  	v1 =	vand.u32 $0xFFFF, v0  }
0x41: {  	v0 =	vshra.s32 v0, $0x10;
	[tilespmem:$0xA30] =	vst v1  }
0x42: {  	[tilespmem:$0xAB0] =	vst v0  }
0x43: {  	v0 =	vld [tilespmem:s11+$0x40];
	_ =	sdelay $0x4  }
0x44: {  	v1 =	vand.u32 $0xFFFF, v0  }
0x45: {  	v0 =	vshra.s32 v0, $0x10;
	[tilespmem:$0xA40] =	vst v1  }
0x46: {  	[tilespmem:$0xAC0] =	vst v0  }
0x47: {  	v0 =	vld [tilespmem:s11+$0x50];
	_ =	sdelay $0x4  }
0x48: {  	v1 =	vand.u32 $0xFFFF, v0  }
0x49: {  	v0 =	vshra.s32 v0, $0x10;
	[tilespmem:$0xA50] =	vst v1  }
0x4a: {  	[tilespmem:$0xAD0] =	vst v0  }
0x4b: {  	v0 =	vld [tilespmem:s11+$0x60];
	_ =	sdelay $0x4  }
0x4c: {  	v1 =	vand.u32 $0xFFFF, v0  }
0x4d: {  	v0 =	vshra.s32 v0, $0x10;
	[tilespmem:$0xA60] =	vst v1  }
0x4e: {  	[tilespmem:$0xAE0] =	vst v0  }
0x4f: {  	v0 =	vld [tilespmem:s11+$0x70];
	_ =	sdelay $0x4  }
0x50: {  	v1 =	vand.u32 $0xFFFF, v0  }
0x51: {  	s1 =	simm.s32 $0x200;
	v0 =	vshra.s32 v0, $0x10;
	[tilespmem:$0xA70] =	vst v1  }
.LBB2_2:
0x52: {  	p1 =	sne.s32 s1, $0x2600;
	[tilespmem:$0xAF0] =	vst v0;
	s5 =	smov.u32 s1;
	s1 =	sadd.s32 $0x200, s1  }
0x53: {  	[tilespmem:s26], [sflag:$0x1] =	stream.indirect.gather [hbm4b:s4+s29], $0x90, s30, s29, $0xb8;
	[tilespmem:$0x1BB00] =	vst v63  }
0x54: {  	_ =	swait.ge [sflag:s28], $0x4800  }
0x55: {  	[sflag:s28] =	ssyncset.done $0x0  }
0x56: {  	[sflag:s28] =	ssyncadd.s32 $0xFFFFB800  }
0x57: {  	[spmem:s2] =	stream.indirect.scatter.add.f32 [tilespmem:s26], [sflag:$0x1], $0x90, s31, s29, $0xb8;
	[tilespmem:$0x1BB00] =	vst v63  }
0x58: {  	_ =	swait.ge [sflag:s28], $0x4800  }
0x59: {  	[sflag:s28] =	ssyncset.done $0x0  }
0x5a: {  	s5 =	sshra.s32 s5, $0x2;
	[sflag:s28] =	ssyncadd.s32 $0xFFFFB800  }
0x5b: {  	v0 =	vld [tilespmem:s5+$0x0];
	_ =	sdelay $0x4  }
0x5c: {  	v1 =	vand.u32 $0xFFFF, v0;
	v0 =	vshra.s32 v0, $0x10  }
0x5d: {  	[tilespmem:$0xA00] =	vst v1  }
0x5e: {  	[tilespmem:$0xA80] =	vst v0  }
0x5f: {  	v0 =	vld [tilespmem:s5+$0x10];
	_ =	sdelay $0x4  }
0x60: {  	v1 =	vand.u32 $0xFFFF, v0;
	v0 =	vshra.s32 v0, $0x10  }
0x61: {  	[tilespmem:$0xA10] =	vst v1  }
0x62: {  	[tilespmem:$0xA90] =	vst v0  }
0x63: {  	v0 =	vld [tilespmem:s5+$0x20];
	_ =	sdelay $0x4  }
0x64: {  	v1 =	vand.u32 $0xFFFF, v0;
	v0 =	vshra.s32 v0, $0x10  }
0x65: {  	[tilespmem:$0xA20] =	vst v1  }
0x66: {  	[tilespmem:$0xAA0] =	vst v0  }
0x67: {  	v0 =	vld [tilespmem:s5+$0x30];
	_ =	sdelay $0x4  }
0x68: {  	v1 =	vand.u32 $0xFFFF, v0;
	v0 =	vshra.s32 v0, $0x10  }
0x69: {  	[tilespmem:$0xA30] =	vst v1  }
0x6a: {  	[tilespmem:$0xAB0] =	vst v0  }
0x6b: {  	v0 =	vld [tilespmem:s5+$0x40];
	_ =	sdelay $0x4  }
0x6c: {  	v1 =	vand.u32 $0xFFFF, v0;
	v0 =	vshra.s32 v0, $0x10  }
0x6d: {  	[tilespmem:$0xA40] =	vst v1  }
0x6e: {  	[tilespmem:$0xAC0] =	vst v0  }
0x6f: {  	v0 =	vld [tilespmem:s5+$0x50];
	_ =	sdelay $0x4  }
0x70: {  	v1 =	vand.u32 $0xFFFF, v0;
	v0 =	vshra.s32 v0, $0x10  }
0x71: {  	[tilespmem:$0xA50] =	vst v1  }
0x72: {  	[tilespmem:$0xAD0] =	vst v0  }
0x73: {  	v0 =	vld [tilespmem:s5+$0x60];
	_ =	sdelay $0x4  }
0x74: {  	v1 =	vand.u32 $0xFFFF, v0;
	v0 =	vshra.s32 v0, $0x10  }
0x75: {  	[tilespmem:$0xA60] =	vst v1  }
0x76: {  	[tilespmem:$0xAE0] =	vst v0  }
0x77: {  	v0 =	vld [tilespmem:s5+$0x70];
	_ =	sdelay $0x1  }
.Ltmp0:
0x78: {  	(pc) =	sbr.rel @p1 .LBB2_2-.Ltmp0, $3  }
0x79: {  	_ =	sdelay $0x1  }
0x7a: {  	v1 =	vand.u32 $0xFFFF, v0;
	v0 =	vshra.s32 v0, $0x10  }
0x7b: {  	[tilespmem:$0xA70] =	vst v1  }
0x7c: {  	[tilespmem:$0xAF0] =	vst v0  }
0x7d: {  	[tilespmem:s26], [sflag:$0x1] =	stream.indirect.gather [hbm4b:s4+s29], $0x90, s30, s29, $0xb8;
	[tilespmem:$0x1BB00] =	vst v63  }
0x7e: {  	_ =	swait.ge [sflag:s28], $0x4800  }
0x7f: {  	[sflag:s28] =	ssyncset.done $0x0  }
0x80: {  	[sflag:s28] =	ssyncadd.s32 $0xFFFFB800  }
0x81: {  	[spmem:s2] =	stream.indirect.scatter.add.f32 [tilespmem:s26], [sflag:$0x1], $0x90, s31, s29, $0xb8;
	[tilespmem:$0x1BB00] =	vst v63  }
0x82: {  	_ =	swait.ge [sflag:s28], $0x4800  }
0x83: {  	s1 =	smul.u32 $0x2710, s0;
	[sflag:s28] =	ssyncset.done $0x0  }
0x84: {  	[sflag:s28] =	ssyncadd.s32 $0xFFFFB800  }
0x85: {  	s5 =	sadd.s32 s1, s6;
	[bflag:$0x0] =	sbarrier.arrive $0xFFFF  }
0x86: {  	[tilespmem:s26], [sflag:$0x1] =	stream.linear.gather [spmem:s16], $0x3A80, $0x38;
	[tilespmem:$0x1BB00] =	vst v63  }
0x87: {  	s5 =	smul.u32 $0x12, s5;
	_ =	swait.ge [sflag:s28], $0x3A80  }
0x88: {  	[sflag:s28] =	ssyncset.done $0x0  }
0x89: {  	s5 =	sadd.s32 s7, s5;
	[sflag:s28] =	ssyncadd.s32 $0xFFFFC580  }
0x8a: {  	[hbm4b:s5+s3] =	stream.linear.scatter [tilespmem:s26], [sflag:$0x1], $0x3A80, $0x38;
	[tilespmem:$0x1BB00] =	vst v63  }
0x8b: {  	_ =	swait.ge [sflag:s28], $0x3A80  }
0x8c: {  	[sflag:s28] =	ssyncset.done $0x0  }
0x8d: {  	s8 =	sadd.s32 s1, s10;
	[sflag:s28] =	ssyncadd.s32 $0xFFFFC580  }
0x8e: {  	[tilespmem:s26], [sflag:$0x1] =	stream.linear.gather [spmem:s17], $0x3A80, $0x38;
	[tilespmem:$0x1BB00] =	vst v63  }
0x8f: {  	s5 =	smul.u32 $0x12, s8;
	_ =	swait.ge [sflag:s28], $0x3A80  }
0x90: {  	[sflag:s28] =	ssyncset.done $0x0  }
0x91: {  	s5 =	sadd.s32 s7, s5;
	[sflag:s28] =	ssyncadd.s32 $0xFFFFC580  }
0x92: {  	[hbm4b:s5+s3] =	stream.linear.scatter [tilespmem:s26], [sflag:$0x1], $0x3A80, $0x38;
	[tilespmem:$0x1BB00] =	vst v63  }
0x93: {  	_ =	swait.ge [sflag:s28], $0x3A80  }
0x94: {  	[sflag:s28] =	ssyncset.done $0x0  }
0x95: {  	s11 =	sadd.s32 s1, s18;
	[sflag:s28] =	ssyncadd.s32 $0xFFFFC580  }
0x96: {  	[tilespmem:s26], [sflag:$0x1] =	stream.linear.gather [spmem:s19], $0x3A80, $0x38;
	[tilespmem:$0x1BB00] =	vst v63  }
0x97: {  	s5 =	smul.u32 $0x12, s11;
	_ =	swait.ge [sflag:s28], $0x3A80  }
0x98: {  	[sflag:s28] =	ssyncset.done $0x0  }
0x99: {  	s5 =	sadd.s32 s7, s5;
	[sflag:s28] =	ssyncadd.s32 $0xFFFFC580  }
0x9a: {  	[hbm4b:s5+s3] =	stream.linear.scatter [tilespmem:s26], [sflag:$0x1], $0x3A80, $0x38;
	[tilespmem:$0x1BB00] =	vst v63  }
0x9b: {  	_ =	swait.ge [sflag:s28], $0x3A80  }
0x9c: {  	[sflag:s28] =	ssyncset.done $0x0  }
0x9d: {  	s8 =	sadd.s32 s1, s20;
	[sflag:s28] =	ssyncadd.s32 $0xFFFFC580  }
0x9e: {  	[tilespmem:s26], [sflag:$0x1] =	stream.linear.gather [spmem:s21], $0x3A80, $0x38;
	[tilespmem:$0x1BB00] =	vst v63  }
0x9f: {  	s5 =	smul.u32 $0x12, s8;
	_ =	swait.ge [sflag:s28], $0x3A80  }
0xa0: {  	[sflag:s28] =	ssyncset.done $0x0  }
0xa1: {  	s5 =	sadd.s32 s7, s5;
	[sflag:s28] =	ssyncadd.s32 $0xFFFFC580  }
0xa2: {  	[hbm4b:s5+s3] =	stream.linear.scatter [tilespmem:s26], [sflag:$0x1], $0x3A80, $0x38;
	[tilespmem:$0x1BB00] =	vst v63  }
0xa3: {  	_ =	swait.ge [sflag:s28], $0x3A80  }
0xa4: {  	[sflag:s28] =	ssyncset.done $0x0  }
0xa5: {  	s11 =	sadd.s32 s1, s22;
	[sflag:s28] =	ssyncadd.s32 $0xFFFFC580  }
0xa6: {  	[tilespmem:s26], [sflag:$0x1] =	stream.linear.gather [spmem:s23], $0x3A80, $0x38;
	[tilespmem:$0x1BB00] =	vst v63  }
0xa7: {  	s5 =	smul.u32 $0x12, s11;
	_ =	swait.ge [sflag:s28], $0x3A80  }
0xa8: {  	[sflag:s28] =	ssyncset.done $0x0  }
0xa9: {  	s5 =	sadd.s32 s7, s5;
	[sflag:s28] =	ssyncadd.s32 $0xFFFFC580  }
0xaa: {  	[hbm4b:s5+s3] =	stream.linear.scatter [tilespmem:s26], [sflag:$0x1], $0x3A80, $0x38;
	[tilespmem:$0x1BB00] =	vst v63  }
0xab: {  	_ =	swait.ge [sflag:s28], $0x3A80  }
0xac: {  	[sflag:s28] =	ssyncset.done $0x0  }
0xad: {  	s1 =	sadd.s32 s1, s24;
	[sflag:s28] =	ssyncadd.s32 $0xFFFFC580  }
0xae: {  	[tilespmem:s26], [sflag:$0x1] =	stream.linear.gather [spmem:s25], $0x3A80, $0x38;
	[tilespmem:$0x1BB00] =	vst v63  }
0xaf: {  	s1 =	smul.u32 $0x12, s1;
	_ =	swait.ge [sflag:s28], $0x3A80  }
0xb0: {  	[sflag:s28] =	ssyncset.done $0x0  }
0xb1: {  	s1 =	sadd.s32 s7, s1;
	[sflag:s28] =	ssyncadd.s32 $0xFFFFC580  }
0xb2: {  	[hbm4b:s1+s3] =	stream.linear.scatter [tilespmem:s26], [sflag:$0x1], $0x3A80, $0x38;
	[tilespmem:$0x1BB00] =	vst v63  }
0xb3: {  	_ =	swait.ge [sflag:s28], $0x3A80  }
0xb4: {  	[sflag:s28] =	ssyncset.done $0x0  }
0xb5: {  	s1 =	simm.s32 @!p0 $0xB00;
	s5 =	rddreg [dreg:$0x6];
	[sflag:s28] =	ssyncadd.s32 $0xFFFFC580  }
0xb6: {  	[tilespmem:s1], [sflag:$0x1] =	stream.linear.gather @!p0 [spmem:s5], $0x900, $0x38;
	[tilespmem:$0x1BB00] =	vst v63  }
0xb7: {  	s5 =	smul.u32 @!p0 $0x15F900, s0  }
0xb8: {  	s8 =	simm.s32 @!p0 $0x1  }
0xb9: {  	s11 =	simm.s32 @!p0 $0x0;
	_ =	swait.ge @!p0 [sflag:s8], $0x900;
	s5 =	sshrl.u32 @!p0 s5, $0x3  }
0xba: {  	s0 =	sadd.s32 $0x1, s0;
	[sflag:s8] =	ssyncset.done @!p0 $0x0;
	s5 =	sadd.s32 @!p0 s7, s5  }
0xbb: {  	p1 =	sne.s32 s0, $0x8;
	[sflag:s8] =	ssyncadd.s32 @!p0 $0xFFFFF700;
	s5 =	sadd.s32 @!p0 $0x2BE00, s5  }
0xbc: {  	[hbm4b:s5+s11] =	stream.linear.scatter @!p0 [tilespmem:s1], [sflag:$0x1], $0x900, $0x38;
	[tilespmem:$0x1BB00] =	vst v63  }
.Ltmp1:
0xbd: {  	_ =	swait.ge @!p0 [sflag:s8], $0x900;
	(pc) =	sbr.rel @p1 .LBB2_1-.Ltmp1, $3  }
0xbe: {  	[sflag:s8] =	ssyncset.done @!p0 $0x0  }
0xbf: {  	[sflag:s8] =	ssyncadd.s32 @!p0 $0xFFFFF700  }
0xc0: {  	[bflag:$0x0] =	sbarrier.arrive $0xFFFF;
	_ =	sdelay $0x1  }
0xc1: {  	_ =	sfence.sel $0x180000  }
0xc2: {  	[bflag:$0x0] =	sbarrier.arrive $0xFFFF  }
0xc3: {  	_ =	strace $0x90000047  }
0xc4: {  	[bflag:$0x2] =	sbarrier.arrive $0xFFFF  }
0xc5: {  	s0 =	rddreg [dreg:$0x3]  }
0xc6: {  	s0 =	sadd.s32 @!p0 $0x100000, s0  }
0xc7: {  	[sflag:s0] =	ssyncadd.tile.s32 @!p0 $0x1;
	_ =	shalt  }
.Lfunc_end2:
_tile_overlayer_lowered:
.L_overlay_start_2:
0xc8: {  	(tag) =	ssettag $0x2  }
0xc9: {  	s0 =	rddreg [dreg:$0x0];
	s2 =	stileid.u32  }
0xca: {  	s1 =	rddreg [dreg:$0x1];
	p0 =	sne.s32 s2, $0x0  }
0xcb: {  	s3 =	rddreg [dreg:$0x2];
	[bflag:$0x3] =	sbarrier.arrive $0xFFFF;
	s2 =	simm.s32 @!p0 $0x1C01  }
0xcc: {  	[timem:s3], [sflag:s2] =	dma.local @!p0 [hbm:s0], s1  }
0xcd: {  	s0 =	simm.s32 @!p0 $0x1  }
0xce: {  	_ =	swait.ge @!p0 [sflag:s0], s1  }
0xcf: {  	s1 =	ssub.s32 @!p0 $0x0, s1;
	[sflag:s0] =	ssyncset.done @!p0 $0x0  }
0xd0: {  	[sflag:s0] =	ssyncadd.s32 @!p0 s1  }
0xd1: {  	[bflag:$0x3] =	sbarrier.arrive $0xFFFF  }
0xd2: {  	_ =	shalt  }

</sc_bundles>
